<compile_context>
chip_gen: v7x
topology: tpu7x:2x2x1
jax: 0.10.2.dev20260603
libtpu: 0.0.44.dev20260713+nightly
codegen_flags: <defaults>
</compile_context>

<pallas_src>
import functools

import jax
import jax.numpy as jnp
from jax import lax
from jax.experimental import pallas as pl
from jax.experimental.pallas import tpu as pltpu
from jax.experimental.pallas import tpu_sc as plsc

NUM_ENGAGEMENT = 8
NUM_CONTENT = 1000000
EMBED_DIM = 64
BATCH = 16384

ENG_DIM = EMBED_DIM // 2
OUT_DIM = ENG_DIM + EMBED_DIM
PAD_DIM = 128

_NC = 2
_NS = 16
_NW = _NC * _NS
_BPW = BATCH // _NW
_CHUNK = 128
_NCHUNK = _BPW // _CHUNK
_EREP = 64


def _sc_kernel():
    mesh = plsc.VectorSubcoreMesh(core_axis_name="c", subcore_axis_name="s")

    @functools.partial(
        pl.kernel,
        out_type=(
            jax.ShapeDtypeStruct((BATCH, PAD_DIM), jnp.float32),
            jax.ShapeDtypeStruct((BATCH, PAD_DIM), jnp.float32),
        ),
        mesh=mesh,
        scratch_types=[
            pltpu.VMEM((_BPW,), jnp.int32),
            pltpu.VMEM((_BPW,), jnp.int32),
            pltpu.VMEM((_BPW, PAD_DIM), jnp.float32),
            pltpu.VMEM((_CHUNK, PAD_DIM), jnp.float32),
            pltpu.VMEM((_CHUNK, PAD_DIM), jnp.float32),
            pltpu.SemaphoreType.DMA,
            pltpu.SemaphoreType.DMA,
            pltpu.SemaphoreType.DMA,
        ],
    )
    def k(eidx_hbm, cidx_hbm, etab_hbm, ctab_hbm, cont_out, eng_out,
          eidx_v, cidx_v, cont_v, eng_a, eng_b, sem, sem2, sem3):
        wid = lax.axis_index("s") * _NC + lax.axis_index("c")
        base = wid * _BPW

        pltpu.sync_copy(cidx_hbm.at[pl.ds(base, _BPW)], cidx_v)
        pltpu.sync_copy(eidx_hbm.at[pl.ds(base, _BPW)], eidx_v)

        lane = lax.iota(jnp.int32, 16)

        def spread(g, carry):
            v = eidx_v[pl.ds(g * 16, 16)]
            rep = jnp.bitwise_and(g * 16 + lane, _EREP - 1)
            eidx_v[pl.ds(g * 16, 16)] = v + rep * (NUM_ENGAGEMENT + 1)
            return carry

        lax.fori_loop(0, _BPW // 16, spread, 0)

        def ch(j):
            return pl.ds(j * _CHUNK, _CHUNK)

        def och(j):
            return pl.ds(base + j * _CHUNK, _CHUNK)

        cps = []
        for j in range(_NCHUNK):
            cps.append(pltpu.async_copy(
                ctab_hbm.at[cidx_v.at[ch(j)]], cont_v.at[ch(j)], sem))

        g0 = pltpu.async_copy(etab_hbm.at[eidx_v.at[ch(0)]], eng_a, sem2)
        g1 = pltpu.async_copy(etab_hbm.at[eidx_v.at[ch(1)]], eng_b, sem2)
        g0.wait()
        w0 = pltpu.async_copy(eng_a, eng_out.at[och(0)], sem3)
        g1.wait()
        w1 = pltpu.async_copy(eng_b, eng_out.at[och(1)], sem3)
        w0.wait()
        g2 = pltpu.async_copy(etab_hbm.at[eidx_v.at[ch(2)]], eng_a, sem2)
        w1.wait()
        g3 = pltpu.async_copy(etab_hbm.at[eidx_v.at[ch(3)]], eng_b, sem2)
        g2.wait()
        w2 = pltpu.async_copy(eng_a, eng_out.at[och(2)], sem3)
        g3.wait()
        w3 = pltpu.async_copy(eng_b, eng_out.at[och(3)], sem3)
        w2.wait()
        w3.wait()

        for cp in cps:
            cp.wait()

        zeros16 = jnp.zeros((16,), jnp.float32)

        def mask_group(g, carry):
            v = cidx_v[pl.ds(g * 16, 16)]

            def zero_row(lane):
                @pl.when(v[lane] == 0)
                def _():
                    row = g * 16 + lane
                    for c in range(0, EMBED_DIM, 16):
                        cont_v[row, pl.ds(c, 16)] = zeros16

            for lane in range(16):
                zero_row(lane)
            return carry

        lax.fori_loop(0, _BPW // 16, mask_group, 0)

        pltpu.sync_copy(cont_v, cont_out.at[pl.ds(base, _BPW)])

    return k


_kernel_call = _sc_kernel()


def kernel(engagement_type_idx, content_idx, engagement_table, content_table):
    eye_pad = jnp.eye(EMBED_DIM, PAD_DIM, dtype=jnp.float32)
    ctab128 = jax.lax.dot_general(
        content_table.T, eye_pad, (((0,), (0,)), ((), ())),
        precision=jax.lax.Precision.DEFAULT)
    etab_pad = jnp.tile(
        jnp.pad(engagement_table, ((0, 0), (0, PAD_DIM - ENG_DIM))),
        (_EREP, 1))
    cont_o, eng_o = _kernel_call(
        engagement_type_idx.astype(jnp.int32),
        content_idx.astype(jnp.int32),
        etab_pad,
        ctab128,
    )
    return jnp.concatenate(
        [eng_o[:, :ENG_DIM], cont_o[:, :EMBED_DIM]], axis=1)

# --- scband reference (transcript-rebuilt; emitter-appended) ---
"""Pipeline reference for scband-candidate-model-35175782154310 (READ-ONLY COPY).

The authoritative reference and input builder live on the scoring server;
editing this copy changes nothing except your own understanding.
"""

import jax, jax.numpy as jnp
import numpy as np

NUM_ENGAGEMENT = 8
NUM_CONTENT = 1000000
EMBED_DIM = 64
BATCH = 16384


def setup_inputs(seed: int = 0) -> dict:
    key = jax.random.key(seed)
    k1, k2, k3, k4 = jax.random.split(key, 4)
    # Index inputs (string lookup output modeled as integer indices; index 0 = OOV / 'NO_CONTENT')
    engagement_type_idx = jax.random.randint(k1, (BATCH,), 0, NUM_ENGAGEMENT + 1, dtype=jnp.int64 if jax.config.jax_enable_x64 else jnp.int32)
    content_idx = jax.random.randint(k2, (BATCH,), 0, NUM_CONTENT + 1, dtype=jnp.int64 if jax.config.jax_enable_x64 else jnp.int32)
    # Learned embedding tables (Embedding(len(vocab)+1, dim))
    engagement_table = jax.random.normal(k3, (NUM_ENGAGEMENT + 1, EMBED_DIM // 2), dtype=jnp.float32) * 0.05
    content_table = jax.random.normal(k4, (NUM_CONTENT + 1, EMBED_DIM), dtype=jnp.float32) * 0.05
    return {
        "engagement_type_idx": engagement_type_idx,
        "content_idx": content_idx,
        "engagement_table": engagement_table,
        "content_table": content_table,
    }


def reference(engagement_type_idx, content_idx, engagement_table, content_table):
    # engagement_type_emb = Embedding(engagement_type_idx)
    engagement_type_emb = jnp.take(engagement_table, engagement_type_idx, axis=0)
    # content_emb = Embedding(content_idx)
    content_emb = jnp.take(content_table, content_idx, axis=0)
    # has_content = content_id != 'NO_CONTENT'  (modeled as content_idx != 0)
    has_content = (content_idx != 0).astype(jnp.float32)
    content_emb = jnp.where(has_content[:, None] > 0, content_emb, jnp.zeros_like(content_emb))
    return jnp.concatenate([engagement_type_emb, content_emb], axis=1)

if __name__ == "__main__":
    import jax
    _d = setup_inputs()
    print(jax.jit(kernel)(*tuple(_d.values())))

</pallas_src>

<mosaic_0001>
#map = affine_map<(d0, d1) -> (0)>
#map1 = affine_map<(d0, d1) -> (0, 0)>
module attributes {stable_mosaic.version = 14 : i64} {
  func.func @k(%arg0: i32, %arg1: i32, %arg2: memref<16384xi32, #tpu.memory_space<hbm>>, %arg3: memref<16384xi32, #tpu.memory_space<hbm>>, %arg4: memref<576x128xf32, #tpu.memory_space<hbm>>, %arg5: memref<1000001x128xf32, #tpu.memory_space<hbm>>, %arg6: memref<16384x128xf32, #tpu.memory_space<hbm>>, %arg7: memref<16384x128xf32, #tpu.memory_space<hbm>>, %arg8: memref<512xi32, #tpu.memory_space<vmem>>, %arg9: memref<512xi32, #tpu.memory_space<vmem>>, %arg10: memref<512x128xf32, #tpu.memory_space<vmem>>, %arg11: memref<128x128xf32, #tpu.memory_space<vmem>>, %arg12: memref<128x128xf32, #tpu.memory_space<vmem>>, %arg13: memref<!tpu.dma_semaphore, #tpu.memory_space<semaphore_mem>>, %arg14: memref<!tpu.dma_semaphore, #tpu.memory_space<semaphore_mem>>, %arg15: memref<!tpu.dma_semaphore, #tpu.memory_space<semaphore_mem>>) attributes {dimension_semantics = [#tpu.dimension_semantics<core_parallel>, #tpu.dimension_semantics<subcore_parallel>], iteration_bounds = array<i64: 2, 16>, scalar_prefetch = 0 : i64, scratch_operands = 8 : i64, tpu.core_type = #tpu.core_type<sc_vector_subcore>, window_params = [{transform_indices = #map}, {transform_indices = #map}, {transform_indices = #map1}, {transform_indices = #map1}, {transform_indices = #map1}, {transform_indices = #map1}]} {
    %mul3A = arith.constant 2 : i32
    %mul3A_0 = arith.muli %arg1, %mul3A : i32
    %add3A = arith.addi %mul3A_0, %arg0 : i32
    %mul3A_1 = arith.constant 512 : i32
    %mul3A_2 = arith.muli %add3A, %mul3A_1 : i32
    "tpu.region"() ({
      %run_scoped3A = tpu.sem_alloc : memref<!tpu.dma_semaphore, #tpu.memory_space<semaphore_mem>>
      %dma_start3A_157 = tpu.memref_slice %arg3[%mul3A_2] : memref<16384xi32, #tpu.memory_space<hbm>> -> memref<512xi32, #tpu.memory_space<hbm>>
      %dma_start3A_158 = tpu.memref_slice %arg3[%mul3A_2] : memref<16384xi32, #tpu.memory_space<hbm>> -> memref<512xi32, #tpu.memory_space<hbm>>
      tpu.enqueue_dma source(%dma_start3A_158 : memref<512xi32, #tpu.memory_space<hbm>>) target(%arg9 : memref<512xi32, #tpu.memory_space<vmem>>) target_semaphore(%run_scoped3A : memref<!tpu.dma_semaphore, #tpu.memory_space<semaphore_mem>>)
      %dma_wait3A_159 = tpu.memref_slice %arg3[%mul3A_2] : memref<16384xi32, #tpu.memory_space<hbm>> -> memref<512xi32, #tpu.memory_space<hbm>>
      %dma_wait3A_160 = tpu.memref_slice %arg3[%mul3A_2] : memref<16384xi32, #tpu.memory_space<hbm>> -> memref<512xi32, #tpu.memory_space<hbm>>
      tpu.wait_dma2 semaphore(%run_scoped3A : memref<!tpu.dma_semaphore, #tpu.memory_space<semaphore_mem>>) src(%dma_wait3A_160 : memref<512xi32, #tpu.memory_space<hbm>>) dst(%arg9 : memref<512xi32, #tpu.memory_space<vmem>>)
      tpu.yield
    }) : () -> ()
    "tpu.region"() ({
      %run_scoped3A = tpu.sem_alloc : memref<!tpu.dma_semaphore, #tpu.memory_space<semaphore_mem>>
      %dma_start3A_157 = tpu.memref_slice %arg2[%mul3A_2] : memref<16384xi32, #tpu.memory_space<hbm>> -> memref<512xi32, #tpu.memory_space<hbm>>
      %dma_start3A_158 = tpu.memref_slice %arg2[%mul3A_2] : memref<16384xi32, #tpu.memory_space<hbm>> -> memref<512xi32, #tpu.memory_space<hbm>>
      tpu.enqueue_dma source(%dma_start3A_158 : memref<512xi32, #tpu.memory_space<hbm>>) target(%arg8 : memref<512xi32, #tpu.memory_space<vmem>>) target_semaphore(%run_scoped3A : memref<!tpu.dma_semaphore, #tpu.memory_space<semaphore_mem>>)
      %dma_wait3A_159 = tpu.memref_slice %arg2[%mul3A_2] : memref<16384xi32, #tpu.memory_space<hbm>> -> memref<512xi32, #tpu.memory_space<hbm>>
      %dma_wait3A_160 = tpu.memref_slice %arg2[%mul3A_2] : memref<16384xi32, #tpu.memory_space<hbm>> -> memref<512xi32, #tpu.memory_space<hbm>>
      tpu.wait_dma2 semaphore(%run_scoped3A : memref<!tpu.dma_semaphore, #tpu.memory_space<semaphore_mem>>) src(%dma_wait3A_160 : memref<512xi32, #tpu.memory_space<hbm>>) dst(%arg8 : memref<512xi32, #tpu.memory_space<vmem>>)
      tpu.yield
    }) : () -> ()
    %iota3A = tpu.iota {dimensions = array<i32: 0>} : vector<16xi32>
    %scan3A = arith.constant 0 : i32
    %scan3A_3 = arith.constant 0 : i32
    %scan3A_4 = arith.constant 32 : i32
    %scan3A_5 = arith.addi %scan3A_3, %scan3A_4 : i32
    %scan3A_6 = arith.constant 1 : i32
    scf.for %scan3A_157 = %scan3A_3 to %scan3A_5 step %scan3A_6  : i32 {
      %mul3A_158 = arith.constant 16 : i32
      %mul3A_159 = arith.muli %scan3A_157, %mul3A_158 : i32
      %get3A = arith.index_cast %mul3A_159 : i32 to index
      %get3A_160 = tpu.vector_load %arg8[%get3A] {strides = array<i32>} : memref<512xi32, #tpu.memory_space<vmem>>, vector<16xi32>,
      %get3A_161 = vector.shape_cast %get3A_160 : vector<16xi32> to vector<16xi32>
      %mul3A_162 = arith.constant 16 : i32
      %mul3A_163 = arith.muli %scan3A_157, %mul3A_162 : i32
      %add3A_164 = vector.broadcast %mul3A_163 : i32 to vector<16xi32>
      %add3A_165 = arith.addi %add3A_164, %iota3A : vector<16xi32>
      %and3A = arith.constant 63 : i32
      %and3A_166 = vector.broadcast %and3A : i32 to vector<16xi32>
      %and3A_167 = arith.andi %add3A_165, %and3A_166 : vector<16xi32>
      %mul3A_168 = arith.constant 9 : i32
      %mul3A_169 = vector.broadcast %mul3A_168 : i32 to vector<16xi32>
      %mul3A_170 = arith.muli %and3A_167, %mul3A_169 : vector<16xi32>
      %add3A_171 = arith.addi %get3A_161, %mul3A_170 : vector<16xi32>
      %mul3A_172 = arith.constant 16 : i32
      %mul3A_173 = arith.muli %scan3A_157, %mul3A_172 : i32
      %swap3A = arith.index_cast %mul3A_173 : i32 to index
      %swap3A_174 = tpu.vector_load %arg8[%swap3A] {strides = array<i32>} : memref<512xi32, #tpu.memory_space<vmem>>, vector<16xi32>,
      %swap3A_175 = vector.shape_cast %swap3A_174 : vector<16xi32> to vector<16xi32>
      %swap3A_176 = vector.shape_cast %add3A_171 : vector<16xi32> to vector<16xi32>
      tpu.vector_store %arg8[%swap3A], %swap3A_176 {strides = array<i32>} : memref<512xi32, #tpu.memory_space<vmem>>, vector<16xi32>,
    }
    %scan3A_7 = arith.constant 32 : i32
    %dma_start3A = arith.constant 0 : i32
    %dma_start3A_8 = arith.constant 0 : i32
    %dma_start3A_9 = tpu.memref_slice %arg10[%dma_start3A, %dma_start3A_8] : memref<512x128xf32, #tpu.memory_space<vmem>> -> memref<128x128xf32, #tpu.memory_space<vmem>>
    %dma_start3A_10 = arith.constant 0 : i32
    %dma_start3A_11 = tpu.memref_slice %arg9[%dma_start3A_10] : memref<512xi32, #tpu.memory_space<vmem>> -> memref<128xi32, #tpu.memory_space<vmem>>
    %dma_start3A_12 = arith.constant 0 : i32
    %dma_start3A_13 = arith.constant 0 : i32
    %dma_start3A_14 = tpu.memref_slice %arg5[%dma_start3A_12, %dma_start3A_13] : memref<1000001x128xf32, #tpu.memory_space<hbm>> -> memref<1000001x128xf32, #tpu.memory_space<hbm>>
    tpu.enqueue_indirect_dma source(%dma_start3A_14 : memref<1000001x128xf32, #tpu.memory_space<hbm>>) target(%dma_start3A_9 : memref<128x128xf32, #tpu.memory_space<vmem>>) offsets(%dma_start3A_11 : memref<128xi32, #tpu.memory_space<vmem>>) semaphore(%arg13 : memref<!tpu.dma_semaphore, #tpu.memory_space<semaphore_mem>>)
    %dma_start3A_15 = arith.constant 128 : i32
    %dma_start3A_16 = arith.constant 0 : i32
    %dma_start3A_17 = tpu.memref_slice %arg10[%dma_start3A_15, %dma_start3A_16] : memref<512x128xf32, #tpu.memory_space<vmem>> -> memref<128x128xf32, #tpu.memory_space<vmem>>
    %dma_start3A_18 = arith.constant 128 : i32
    %dma_start3A_19 = tpu.memref_slice %arg9[%dma_start3A_18] : memref<512xi32, #tpu.memory_space<vmem>> -> memref<128xi32, #tpu.memory_space<vmem>>
    %dma_start3A_20 = arith.constant 0 : i32
    %dma_start3A_21 = arith.constant 0 : i32
    %dma_start3A_22 = tpu.memref_slice %arg5[%dma_start3A_20, %dma_start3A_21] : memref<1000001x128xf32, #tpu.memory_space<hbm>> -> memref<1000001x128xf32, #tpu.memory_space<hbm>>
    tpu.enqueue_indirect_dma source(%dma_start3A_22 : memref<1000001x128xf32, #tpu.memory_space<hbm>>) target(%dma_start3A_17 : memref<128x128xf32, #tpu.memory_space<vmem>>) offsets(%dma_start3A_19 : memref<128xi32, #tpu.memory_space<vmem>>) semaphore(%arg13 : memref<!tpu.dma_semaphore, #tpu.memory_space<semaphore_mem>>)
    %dma_start3A_23 = arith.constant 256 : i32
    %dma_start3A_24 = arith.constant 0 : i32
    %dma_start3A_25 = tpu.memref_slice %arg10[%dma_start3A_23, %dma_start3A_24] : memref<512x128xf32, #tpu.memory_space<vmem>> -> memref<128x128xf32, #tpu.memory_space<vmem>>
    %dma_start3A_26 = arith.constant 256 : i32
    %dma_start3A_27 = tpu.memref_slice %arg9[%dma_start3A_26] : memref<512xi32, #tpu.memory_space<vmem>> -> memref<128xi32, #tpu.memory_space<vmem>>
    %dma_start3A_28 = arith.constant 0 : i32
    %dma_start3A_29 = arith.constant 0 : i32
    %dma_start3A_30 = tpu.memref_slice %arg5[%dma_start3A_28, %dma_start3A_29] : memref<1000001x128xf32, #tpu.memory_space<hbm>> -> memref<1000001x128xf32, #tpu.memory_space<hbm>>
    tpu.enqueue_indirect_dma source(%dma_start3A_30 : memref<1000001x128xf32, #tpu.memory_space<hbm>>) target(%dma_start3A_25 : memref<128x128xf32, #tpu.memory_space<vmem>>) offsets(%dma_start3A_27 : memref<128xi32, #tpu.memory_space<vmem>>) semaphore(%arg13 : memref<!tpu.dma_semaphore, #tpu.memory_space<semaphore_mem>>)
    %dma_start3A_31 = arith.constant 384 : i32
    %dma_start3A_32 = arith.constant 0 : i32
    %dma_start3A_33 = tpu.memref_slice %arg10[%dma_start3A_31, %dma_start3A_32] : memref<512x128xf32, #tpu.memory_space<vmem>> -> memref<128x128xf32, #tpu.memory_space<vmem>>
    %dma_start3A_34 = arith.constant 384 : i32
    %dma_start3A_35 = tpu.memref_slice %arg9[%dma_start3A_34] : memref<512xi32, #tpu.memory_space<vmem>> -> memref<128xi32, #tpu.memory_space<vmem>>
    %dma_start3A_36 = arith.constant 0 : i32
    %dma_start3A_37 = arith.constant 0 : i32
    %dma_start3A_38 = tpu.memref_slice %arg5[%dma_start3A_36, %dma_start3A_37] : memref<1000001x128xf32, #tpu.memory_space<hbm>> -> memref<1000001x128xf32, #tpu.memory_space<hbm>>
    tpu.enqueue_indirect_dma source(%dma_start3A_38 : memref<1000001x128xf32, #tpu.memory_space<hbm>>) target(%dma_start3A_33 : memref<128x128xf32, #tpu.memory_space<vmem>>) offsets(%dma_start3A_35 : memref<128xi32, #tpu.memory_space<vmem>>) semaphore(%arg13 : memref<!tpu.dma_semaphore, #tpu.memory_space<semaphore_mem>>)
    %dma_start3A_39 = arith.constant 0 : i32
    %dma_start3A_40 = tpu.memref_slice %arg8[%dma_start3A_39] : memref<512xi32, #tpu.memory_space<vmem>> -> memref<128xi32, #tpu.memory_space<vmem>>
    %dma_start3A_41 = arith.constant 0 : i32
    %dma_start3A_42 = arith.constant 0 : i32
    %dma_start3A_43 = tpu.memref_slice %arg4[%dma_start3A_41, %dma_start3A_42] : memref<576x128xf32, #tpu.memory_space<hbm>> -> memref<576x128xf32, #tpu.memory_space<hbm>>
    tpu.enqueue_indirect_dma source(%dma_start3A_43 : memref<576x128xf32, #tpu.memory_space<hbm>>) target(%arg11 : memref<128x128xf32, #tpu.memory_space<vmem>>) offsets(%dma_start3A_40 : memref<128xi32, #tpu.memory_space<vmem>>) semaphore(%arg14 : memref<!tpu.dma_semaphore, #tpu.memory_space<semaphore_mem>>)
    %dma_start3A_44 = arith.constant 128 : i32
    %dma_start3A_45 = tpu.memref_slice %arg8[%dma_start3A_44] : memref<512xi32, #tpu.memory_space<vmem>> -> memref<128xi32, #tpu.memory_space<vmem>>
    %dma_start3A_46 = arith.constant 0 : i32
    %dma_start3A_47 = arith.constant 0 : i32
    %dma_start3A_48 = tpu.memref_slice %arg4[%dma_start3A_46, %dma_start3A_47] : memref<576x128xf32, #tpu.memory_space<hbm>> -> memref<576x128xf32, #tpu.memory_space<hbm>>
    tpu.enqueue_indirect_dma source(%dma_start3A_48 : memref<576x128xf32, #tpu.memory_space<hbm>>) target(%arg12 : memref<128x128xf32, #tpu.memory_space<vmem>>) offsets(%dma_start3A_45 : memref<128xi32, #tpu.memory_space<vmem>>) semaphore(%arg14 : memref<!tpu.dma_semaphore, #tpu.memory_space<semaphore_mem>>)
    %dma_wait3A = arith.constant 0 : i32
    %dma_wait3A_49 = tpu.memref_slice %arg8[%dma_wait3A] : memref<512xi32, #tpu.memory_space<vmem>> -> memref<128xi32, #tpu.memory_space<vmem>>
    %dma_wait3A_50 = arith.constant 0 : i32
    %dma_wait3A_51 = arith.constant 0 : i32
    %dma_wait3A_52 = tpu.memref_slice %arg4[%dma_wait3A_50, %dma_wait3A_51] : memref<576x128xf32, #tpu.memory_space<hbm>> -> memref<576x128xf32, #tpu.memory_space<hbm>>
    tpu.wait_indirect_dma semaphore(%arg14 : memref<!tpu.dma_semaphore, #tpu.memory_space<semaphore_mem>>) src(%dma_wait3A_52 : memref<576x128xf32, #tpu.memory_space<hbm>>) dst(%arg11 : memref<128x128xf32, #tpu.memory_space<vmem>>)
    %add3A_53 = arith.constant 0 : i32
    %add3A_54 = arith.addi %mul3A_2, %add3A_53 : i32
    %dma_start3A_55 = arith.constant 0 : i32
    %dma_start3A_56 = tpu.memref_slice %arg7[%add3A_54, %dma_start3A_55] : memref<16384x128xf32, #tpu.memory_space<hbm>> -> memref<128x128xf32, #tpu.memory_space<hbm>>
    %dma_start3A_57 = arith.constant 0 : i32
    %dma_start3A_58 = tpu.memref_slice %arg7[%add3A_54, %dma_start3A_57] : memref<16384x128xf32, #tpu.memory_space<hbm>> -> memref<128x128xf32, #tpu.memory_space<hbm>>
    tpu.enqueue_dma source(%arg11 : memref<128x128xf32, #tpu.memory_space<vmem>>) target(%dma_start3A_58 : memref<128x128xf32, #tpu.memory_space<hbm>>) target_semaphore(%arg15 : memref<!tpu.dma_semaphore, #tpu.memory_space<semaphore_mem>>)
    %dma_wait3A_59 = arith.constant 128 : i32
    %dma_wait3A_60 = tpu.memref_slice %arg8[%dma_wait3A_59] : memref<512xi32, #tpu.memory_space<vmem>> -> memref<128xi32, #tpu.memory_space<vmem>>
    %dma_wait3A_61 = arith.constant 0 : i32
    %dma_wait3A_62 = arith.constant 0 : i32
    %dma_wait3A_63 = tpu.memref_slice %arg4[%dma_wait3A_61, %dma_wait3A_62] : memref<576x128xf32, #tpu.memory_space<hbm>> -> memref<576x128xf32, #tpu.memory_space<hbm>>
    tpu.wait_indirect_dma semaphore(%arg14 : memref<!tpu.dma_semaphore, #tpu.memory_space<semaphore_mem>>) src(%dma_wait3A_63 : memref<576x128xf32, #tpu.memory_space<hbm>>) dst(%arg12 : memref<128x128xf32, #tpu.memory_space<vmem>>)
    %add3A_64 = arith.constant 128 : i32
    %add3A_65 = arith.addi %mul3A_2, %add3A_64 : i32
    %dma_start3A_66 = arith.constant 0 : i32
    %dma_start3A_67 = tpu.memref_slice %arg7[%add3A_65, %dma_start3A_66] : memref<16384x128xf32, #tpu.memory_space<hbm>> -> memref<128x128xf32, #tpu.memory_space<hbm>>
    %dma_start3A_68 = arith.constant 0 : i32
    %dma_start3A_69 = tpu.memref_slice %arg7[%add3A_65, %dma_start3A_68] : memref<16384x128xf32, #tpu.memory_space<hbm>> -> memref<128x128xf32, #tpu.memory_space<hbm>>
    tpu.enqueue_dma source(%arg12 : memref<128x128xf32, #tpu.memory_space<vmem>>) target(%dma_start3A_69 : memref<128x128xf32, #tpu.memory_space<hbm>>) target_semaphore(%arg15 : memref<!tpu.dma_semaphore, #tpu.memory_space<semaphore_mem>>)
    %dma_wait3A_70 = arith.constant 0 : i32
    %dma_wait3A_71 = tpu.memref_slice %arg7[%add3A_54, %dma_wait3A_70] : memref<16384x128xf32, #tpu.memory_space<hbm>> -> memref<128x128xf32, #tpu.memory_space<hbm>>
    %dma_wait3A_72 = arith.constant 0 : i32
    %dma_wait3A_73 = tpu.memref_slice %arg7[%add3A_54, %dma_wait3A_72] : memref<16384x128xf32, #tpu.memory_space<hbm>> -> memref<128x128xf32, #tpu.memory_space<hbm>>
    tpu.wait_dma2 semaphore(%arg15 : memref<!tpu.dma_semaphore, #tpu.memory_space<semaphore_mem>>) src(%arg11 : memref<128x128xf32, #tpu.memory_space<vmem>>) dst(%dma_wait3A_73 : memref<128x128xf32, #tpu.memory_space<hbm>>)
    %dma_start3A_74 = arith.constant 256 : i32
    %dma_start3A_75 = tpu.memref_slice %arg8[%dma_start3A_74] : memref<512xi32, #tpu.memory_space<vmem>> -> memref<128xi32, #tpu.memory_space<vmem>>
    %dma_start3A_76 = arith.constant 0 : i32
    %dma_start3A_77 = arith.constant 0 : i32
    %dma_start3A_78 = tpu.memref_slice %arg4[%dma_start3A_76, %dma_start3A_77] : memref<576x128xf32, #tpu.memory_space<hbm>> -> memref<576x128xf32, #tpu.memory_space<hbm>>
    tpu.enqueue_indirect_dma source(%dma_start3A_78 : memref<576x128xf32, #tpu.memory_space<hbm>>) target(%arg11 : memref<128x128xf32, #tpu.memory_space<vmem>>) offsets(%dma_start3A_75 : memref<128xi32, #tpu.memory_space<vmem>>) semaphore(%arg14 : memref<!tpu.dma_semaphore, #tpu.memory_space<semaphore_mem>>)
    %dma_wait3A_79 = arith.constant 0 : i32
    %dma_wait3A_80 = tpu.memref_slice %arg7[%add3A_65, %dma_wait3A_79] : memref<16384x128xf32, #tpu.memory_space<hbm>> -> memref<128x128xf32, #tpu.memory_space<hbm>>
    %dma_wait3A_81 = arith.constant 0 : i32
    %dma_wait3A_82 = tpu.memref_slice %arg7[%add3A_65, %dma_wait3A_81] : memref<16384x128xf32, #tpu.memory_space<hbm>> -> memref<128x128xf32, #tpu.memory_space<hbm>>
    tpu.wait_dma2 semaphore(%arg15 : memref<!tpu.dma_semaphore, #tpu.memory_space<semaphore_mem>>) src(%arg12 : memref<128x128xf32, #tpu.memory_space<vmem>>) dst(%dma_wait3A_82 : memref<128x128xf32, #tpu.memory_space<hbm>>)
    %dma_start3A_83 = arith.constant 384 : i32
    %dma_start3A_84 = tpu.memref_slice %arg8[%dma_start3A_83] : memref<512xi32, #tpu.memory_space<vmem>> -> memref<128xi32, #tpu.memory_space<vmem>>
    %dma_start3A_85 = arith.constant 0 : i32
    %dma_start3A_86 = arith.constant 0 : i32
    %dma_start3A_87 = tpu.memref_slice %arg4[%dma_start3A_85, %dma_start3A_86] : memref<576x128xf32, #tpu.memory_space<hbm>> -> memref<576x128xf32, #tpu.memory_space<hbm>>
    tpu.enqueue_indirect_dma source(%dma_start3A_87 : memref<576x128xf32, #tpu.memory_space<hbm>>) target(%arg12 : memref<128x128xf32, #tpu.memory_space<vmem>>) offsets(%dma_start3A_84 : memref<128xi32, #tpu.memory_space<vmem>>) semaphore(%arg14 : memref<!tpu.dma_semaphore, #tpu.memory_space<semaphore_mem>>)
    %dma_wait3A_88 = arith.constant 256 : i32
    %dma_wait3A_89 = tpu.memref_slice %arg8[%dma_wait3A_88] : memref<512xi32, #tpu.memory_space<vmem>> -> memref<128xi32, #tpu.memory_space<vmem>>
    %dma_wait3A_90 = arith.constant 0 : i32
    %dma_wait3A_91 = arith.constant 0 : i32
    %dma_wait3A_92 = tpu.memref_slice %arg4[%dma_wait3A_90, %dma_wait3A_91] : memref<576x128xf32, #tpu.memory_space<hbm>> -> memref<576x128xf32, #tpu.memory_space<hbm>>
    tpu.wait_indirect_dma semaphore(%arg14 : memref<!tpu.dma_semaphore, #tpu.memory_space<semaphore_mem>>) src(%dma_wait3A_92 : memref<576x128xf32, #tpu.memory_space<hbm>>) dst(%arg11 : memref<128x128xf32, #tpu.memory_space<vmem>>)
    %add3A_93 = arith.constant 256 : i32
    %add3A_94 = arith.addi %mul3A_2, %add3A_93 : i32
    %dma_start3A_95 = arith.constant 0 : i32
    %dma_start3A_96 = tpu.memref_slice %arg7[%add3A_94, %dma_start3A_95] : memref<16384x128xf32, #tpu.memory_space<hbm>> -> memref<128x128xf32, #tpu.memory_space<hbm>>
    %dma_start3A_97 = arith.constant 0 : i32
    %dma_start3A_98 = tpu.memref_slice %arg7[%add3A_94, %dma_start3A_97] : memref<16384x128xf32, #tpu.memory_space<hbm>> -> memref<128x128xf32, #tpu.memory_space<hbm>>
    tpu.enqueue_dma source(%arg11 : memref<128x128xf32, #tpu.memory_space<vmem>>) target(%dma_start3A_98 : memref<128x128xf32, #tpu.memory_space<hbm>>) target_semaphore(%arg15 : memref<!tpu.dma_semaphore, #tpu.memory_space<semaphore_mem>>)
    %dma_wait3A_99 = arith.constant 384 : i32
    %dma_wait3A_100 = tpu.memref_slice %arg8[%dma_wait3A_99] : memref<512xi32, #tpu.memory_space<vmem>> -> memref<128xi32, #tpu.memory_space<vmem>>
    %dma_wait3A_101 = arith.constant 0 : i32
    %dma_wait3A_102 = arith.constant 0 : i32
    %dma_wait3A_103 = tpu.memref_slice %arg4[%dma_wait3A_101, %dma_wait3A_102] : memref<576x128xf32, #tpu.memory_space<hbm>> -> memref<576x128xf32, #tpu.memory_space<hbm>>
    tpu.wait_indirect_dma semaphore(%arg14 : memref<!tpu.dma_semaphore, #tpu.memory_space<semaphore_mem>>) src(%dma_wait3A_103 : memref<576x128xf32, #tpu.memory_space<hbm>>) dst(%arg12 : memref<128x128xf32, #tpu.memory_space<vmem>>)
    %add3A_104 = arith.constant 384 : i32
    %add3A_105 = arith.addi %mul3A_2, %add3A_104 : i32
    %dma_start3A_106 = arith.constant 0 : i32
    %dma_start3A_107 = tpu.memref_slice %arg7[%add3A_105, %dma_start3A_106] : memref<16384x128xf32, #tpu.memory_space<hbm>> -> memref<128x128xf32, #tpu.memory_space<hbm>>
    %dma_start3A_108 = arith.constant 0 : i32
    %dma_start3A_109 = tpu.memref_slice %arg7[%add3A_105, %dma_start3A_108] : memref<16384x128xf32, #tpu.memory_space<hbm>> -> memref<128x128xf32, #tpu.memory_space<hbm>>
    tpu.enqueue_dma source(%arg12 : memref<128x128xf32, #tpu.memory_space<vmem>>) target(%dma_start3A_109 : memref<128x128xf32, #tpu.memory_space<hbm>>) target_semaphore(%arg15 : memref<!tpu.dma_semaphore, #tpu.memory_space<semaphore_mem>>)
    %dma_wait3A_110 = arith.constant 0 : i32
    %dma_wait3A_111 = tpu.memref_slice %arg7[%add3A_94, %dma_wait3A_110] : memref<16384x128xf32, #tpu.memory_space<hbm>> -> memref<128x128xf32, #tpu.memory_space<hbm>>
    %dma_wait3A_112 = arith.constant 0 : i32
    %dma_wait3A_113 = tpu.memref_slice %arg7[%add3A_94, %dma_wait3A_112] : memref<16384x128xf32, #tpu.memory_space<hbm>> -> memref<128x128xf32, #tpu.memory_space<hbm>>
    tpu.wait_dma2 semaphore(%arg15 : memref<!tpu.dma_semaphore, #tpu.memory_space<semaphore_mem>>) src(%arg11 : memref<128x128xf32, #tpu.memory_space<vmem>>) dst(%dma_wait3A_113 : memref<128x128xf32, #tpu.memory_space<hbm>>)
    %dma_wait3A_114 = arith.constant 0 : i32
    %dma_wait3A_115 = tpu.memref_slice %arg7[%add3A_105, %dma_wait3A_114] : memref<16384x128xf32, #tpu.memory_space<hbm>> -> memref<128x128xf32, #tpu.memory_space<hbm>>
    %dma_wait3A_116 = arith.constant 0 : i32
    %dma_wait3A_117 = tpu.memref_slice %arg7[%add3A_105, %dma_wait3A_116] : memref<16384x128xf32, #tpu.memory_space<hbm>> -> memref<128x128xf32, #tpu.memory_space<hbm>>
    tpu.wait_dma2 semaphore(%arg15 : memref<!tpu.dma_semaphore, #tpu.memory_space<semaphore_mem>>) src(%arg12 : memref<128x128xf32, #tpu.memory_space<vmem>>) dst(%dma_wait3A_117 : memref<128x128xf32, #tpu.memory_space<hbm>>)
    %dma_wait3A_118 = arith.constant 0 : i32
    %dma_wait3A_119 = arith.constant 0 : i32
    %dma_wait3A_120 = tpu.memref_slice %arg10[%dma_wait3A_118, %dma_wait3A_119] : memref<512x128xf32, #tpu.memory_space<vmem>> -> memref<128x128xf32, #tpu.memory_space<vmem>>
    %dma_wait3A_121 = arith.constant 0 : i32
    %dma_wait3A_122 = tpu.memref_slice %arg9[%dma_wait3A_121] : memref<512xi32, #tpu.memory_space<vmem>> -> memref<128xi32, #tpu.memory_space<vmem>>
    %dma_wait3A_123 = arith.constant 0 : i32
    %dma_wait3A_124 = arith.constant 0 : i32
    %dma_wait3A_125 = tpu.memref_slice %arg5[%dma_wait3A_123, %dma_wait3A_124] : memref<1000001x128xf32, #tpu.memory_space<hbm>> -> memref<1000001x128xf32, #tpu.memory_space<hbm>>
    tpu.wait_indirect_dma semaphore(%arg13 : memref<!tpu.dma_semaphore, #tpu.memory_space<semaphore_mem>>) src(%dma_wait3A_125 : memref<1000001x128xf32, #tpu.memory_space<hbm>>) dst(%dma_wait3A_120 : memref<128x128xf32, #tpu.memory_space<vmem>>)
    %dma_wait3A_126 = arith.constant 128 : i32
    %dma_wait3A_127 = arith.constant 0 : i32
    %dma_wait3A_128 = tpu.memref_slice %arg10[%dma_wait3A_126, %dma_wait3A_127] : memref<512x128xf32, #tpu.memory_space<vmem>> -> memref<128x128xf32, #tpu.memory_space<vmem>>
    %dma_wait3A_129 = arith.constant 128 : i32
    %dma_wait3A_130 = tpu.memref_slice %arg9[%dma_wait3A_129] : memref<512xi32, #tpu.memory_space<vmem>> -> memref<128xi32, #tpu.memory_space<vmem>>
    %dma_wait3A_131 = arith.constant 0 : i32
    %dma_wait3A_132 = arith.constant 0 : i32
    %dma_wait3A_133 = tpu.memref_slice %arg5[%dma_wait3A_131, %dma_wait3A_132] : memref<1000001x128xf32, #tpu.memory_space<hbm>> -> memref<1000001x128xf32, #tpu.memory_space<hbm>>
    tpu.wait_indirect_dma semaphore(%arg13 : memref<!tpu.dma_semaphore, #tpu.memory_space<semaphore_mem>>) src(%dma_wait3A_133 : memref<1000001x128xf32, #tpu.memory_space<hbm>>) dst(%dma_wait3A_128 : memref<128x128xf32, #tpu.memory_space<vmem>>)
    %dma_wait3A_134 = arith.constant 256 : i32
    %dma_wait3A_135 = arith.constant 0 : i32
    %dma_wait3A_136 = tpu.memref_slice %arg10[%dma_wait3A_134, %dma_wait3A_135] : memref<512x128xf32, #tpu.memory_space<vmem>> -> memref<128x128xf32, #tpu.memory_space<vmem>>
    %dma_wait3A_137 = arith.constant 256 : i32
    %dma_wait3A_138 = tpu.memref_slice %arg9[%dma_wait3A_137] : memref<512xi32, #tpu.memory_space<vmem>> -> memref<128xi32, #tpu.memory_space<vmem>>
    %dma_wait3A_139 = arith.constant 0 : i32
    %dma_wait3A_140 = arith.constant 0 : i32
    %dma_wait3A_141 = tpu.memref_slice %arg5[%dma_wait3A_139, %dma_wait3A_140] : memref<1000001x128xf32, #tpu.memory_space<hbm>> -> memref<1000001x128xf32, #tpu.memory_space<hbm>>
    tpu.wait_indirect_dma semaphore(%arg13 : memref<!tpu.dma_semaphore, #tpu.memory_space<semaphore_mem>>) src(%dma_wait3A_141 : memref<1000001x128xf32, #tpu.memory_space<hbm>>) dst(%dma_wait3A_136 : memref<128x128xf32, #tpu.memory_space<vmem>>)
    %dma_wait3A_142 = arith.constant 384 : i32
    %dma_wait3A_143 = arith.constant 0 : i32
    %dma_wait3A_144 = tpu.memref_slice %arg10[%dma_wait3A_142, %dma_wait3A_143] : memref<512x128xf32, #tpu.memory_space<vmem>> -> memref<128x128xf32, #tpu.memory_space<vmem>>
    %dma_wait3A_145 = arith.constant 384 : i32
    %dma_wait3A_146 = tpu.memref_slice %arg9[%dma_wait3A_145] : memref<512xi32, #tpu.memory_space<vmem>> -> memref<128xi32, #tpu.memory_space<vmem>>
    %dma_wait3A_147 = arith.constant 0 : i32
    %dma_wait3A_148 = arith.constant 0 : i32
    %dma_wait3A_149 = tpu.memref_slice %arg5[%dma_wait3A_147, %dma_wait3A_148] : memref<1000001x128xf32, #tpu.memory_space<hbm>> -> memref<1000001x128xf32, #tpu.memory_space<hbm>>
    tpu.wait_indirect_dma semaphore(%arg13 : memref<!tpu.dma_semaphore, #tpu.memory_space<semaphore_mem>>) src(%dma_wait3A_149 : memref<1000001x128xf32, #tpu.memory_space<hbm>>) dst(%dma_wait3A_144 : memref<128x128xf32, #tpu.memory_space<vmem>>)
    %broadcast_in_dim3A = arith.constant 0.000000e+00 : f32
    %broadcast_in_dim3A_150 = vector.broadcast %broadcast_in_dim3A : f32 to vector<16xf32>
    %scan3A_151 = arith.constant 0 : i32
    %scan3A_152 = arith.constant 0 : i32
    %scan3A_153 = arith.constant 32 : i32
    %scan3A_154 = arith.addi %scan3A_152, %scan3A_153 : i32
    %scan3A_155 = arith.constant 1 : i32
    scf.for %scan3A_157 = %scan3A_152 to %scan3A_154 step %scan3A_155  : i32 {
      %mul3A_158 = arith.constant 16 : i32
      %mul3A_159 = arith.muli %scan3A_157, %mul3A_158 : i32
      %get3A = arith.index_cast %mul3A_159 : i32 to index
      %get3A_160 = tpu.vector_load %arg9[%get3A] {strides = array<i32>} : memref<512xi32, #tpu.memory_space<vmem>>, vector<16xi32>,
      %get3A_161 = vector.shape_cast %get3A_160 : vector<16xi32> to vector<16xi32>
      %slice3A = vector.extract_strided_slice %get3A_161 {offsets = [0], sizes = [1], strides = [1]} : vector<16xi32> to vector<1xi32>
      %squeeze3A = vector.extract %slice3A[0] : i32 from vector<1xi32>
      %eq3A = arith.constant 0 : i32
      %eq3A_162 = arith.cmpi eq, %squeeze3A, %eq3A : i32
      %convert_element_type3A = arith.extui %eq3A_162 : i1 to i32
      %cond3A = arith.constant 0 : i32
      %cond3A_163 = arith.cmpi ne, %convert_element_type3A, %cond3A : i32
      scf.if %cond3A_163 {
        %mul3A_269 = arith.constant 16 : i32
        %mul3A_270 = arith.muli %scan3A_157, %mul3A_269 : i32
        %add3A_271 = arith.constant 0 : i32
        %add3A_272 = arith.addi %mul3A_270, %add3A_271 : i32
        %swap3A = arith.index_cast %add3A_272 : i32 to index
        %swap3A_273 = arith.constant 0 : index
        %swap3A_274 = tpu.vector_load %arg10[%swap3A, %swap3A_273] {strides = array<i32>} : memref<512x128xf32, #tpu.memory_space<vmem>>, vector<1x16xf32>,
        %swap3A_275 = vector.shape_cast %swap3A_274 : vector<1x16xf32> to vector<16xf32>
        %swap3A_276 = vector.shape_cast %broadcast_in_dim3A_150 : vector<16xf32> to vector<1x16xf32>
        tpu.vector_store %arg10[%swap3A, %swap3A_273], %swap3A_276 {strides = array<i32>} : memref<512x128xf32, #tpu.memory_space<vmem>>, vector<1x16xf32>,
        %swap3A_277 = arith.index_cast %add3A_272 : i32 to index
        %swap3A_278 = arith.constant 16 : index
        %swap3A_279 = tpu.vector_load %arg10[%swap3A_277, %swap3A_278] {strides = array<i32>} : memref<512x128xf32, #tpu.memory_space<vmem>>, vector<1x16xf32>,
        %swap3A_280 = vector.shape_cast %swap3A_279 : vector<1x16xf32> to vector<16xf32>
        %swap3A_281 = vector.shape_cast %broadcast_in_dim3A_150 : vector<16xf32> to vector<1x16xf32>
        tpu.vector_store %arg10[%swap3A_277, %swap3A_278], %swap3A_281 {strides = array<i32>} : memref<512x128xf32, #tpu.memory_space<vmem>>, vector<1x16xf32>,
        %swap3A_282 = arith.index_cast %add3A_272 : i32 to index
        %swap3A_283 = arith.constant 32 : index
        %swap3A_284 = tpu.vector_load %arg10[%swap3A_282, %swap3A_283] {strides = array<i32>} : memref<512x128xf32, #tpu.memory_space<vmem>>, vector<1x16xf32>,
        %swap3A_285 = vector.shape_cast %swap3A_284 : vector<1x16xf32> to vector<16xf32>
        %swap3A_286 = vector.shape_cast %broadcast_in_dim3A_150 : vector<16xf32> to vector<1x16xf32>
        tpu.vector_store %arg10[%swap3A_282, %swap3A_283], %swap3A_286 {strides = array<i32>} : memref<512x128xf32, #tpu.memory_space<vmem>>, vector<1x16xf32>,
        %swap3A_287 = arith.index_cast %add3A_272 : i32 to index
        %swap3A_288 = arith.constant 48 : index
        %swap3A_289 = tpu.vector_load %arg10[%swap3A_287, %swap3A_288] {strides = array<i32>} : memref<512x128xf32, #tpu.memory_space<vmem>>, vector<1x16xf32>,
        %swap3A_290 = vector.shape_cast %swap3A_289 : vector<1x16xf32> to vector<16xf32>
        %swap3A_291 = vector.shape_cast %broadcast_in_dim3A_150 : vector<16xf32> to vector<1x16xf32>
        tpu.vector_store %arg10[%swap3A_287, %swap3A_288], %swap3A_291 {strides = array<i32>} : memref<512x128xf32, #tpu.memory_space<vmem>>, vector<1x16xf32>,
      } else {
      }
      %slice3A_164 = vector.extract_strided_slice %get3A_161 {offsets = [1], sizes = [1], strides = [1]} : vector<16xi32> to vector<1xi32>
      %squeeze3A_165 = vector.extract %slice3A_164[0] : i32 from vector<1xi32>
      %eq3A_166 = arith.constant 0 : i32
      %eq3A_167 = arith.cmpi eq, %squeeze3A_165, %eq3A_166 : i32
      %convert_element_type3A_168 = arith.extui %eq3A_167 : i1 to i32
      %cond3A_169 = arith.constant 0 : i32
      %cond3A_170 = arith.cmpi ne, %convert_element_type3A_168, %cond3A_169 : i32
      scf.if %cond3A_170 {
        %mul3A_269 = arith.constant 16 : i32
        %mul3A_270 = arith.muli %scan3A_157, %mul3A_269 : i32
        %add3A_271 = arith.constant 1 : i32
        %add3A_272 = arith.addi %mul3A_270, %add3A_271 : i32
        %swap3A = arith.index_cast %add3A_272 : i32 to index
        %swap3A_273 = arith.constant 0 : index
        %swap3A_274 = tpu.vector_load %arg10[%swap3A, %swap3A_273] {strides = array<i32>} : memref<512x128xf32, #tpu.memory_space<vmem>>, vector<1x16xf32>,
        %swap3A_275 = vector.shape_cast %swap3A_274 : vector<1x16xf32> to vector<16xf32>
        %swap3A_276 = vector.shape_cast %broadcast_in_dim3A_150 : vector<16xf32> to vector<1x16xf32>
        tpu.vector_store %arg10[%swap3A, %swap3A_273], %swap3A_276 {strides = array<i32>} : memref<512x128xf32, #tpu.memory_space<vmem>>, vector<1x16xf32>,
        %swap3A_277 = arith.index_cast %add3A_272 : i32 to index
        %swap3A_278 = arith.constant 16 : index
        %swap3A_279 = tpu.vector_load %arg10[%swap3A_277, %swap3A_278] {strides = array<i32>} : memref<512x128xf32, #tpu.memory_space<vmem>>, vector<1x16xf32>,
        %swap3A_280 = vector.shape_cast %swap3A_279 : vector<1x16xf32> to vector<16xf32>
        %swap3A_281 = vector.shape_cast %broadcast_in_dim3A_150 : vector<16xf32> to vector<1x16xf32>
        tpu.vector_store %arg10[%swap3A_277, %swap3A_278], %swap3A_281 {strides = array<i32>} : memref<512x128xf32, #tpu.memory_space<vmem>>, vector<1x16xf32>,
        %swap3A_282 = arith.index_cast %add3A_272 : i32 to index
        %swap3A_283 = arith.constant 32 : index
        %swap3A_284 = tpu.vector_load %arg10[%swap3A_282, %swap3A_283] {strides = array<i32>} : memref<512x128xf32, #tpu.memory_space<vmem>>, vector<1x16xf32>,
        %swap3A_285 = vector.shape_cast %swap3A_284 : vector<1x16xf32> to vector<16xf32>
        %swap3A_286 = vector.shape_cast %broadcast_in_dim3A_150 : vector<16xf32> to vector<1x16xf32>
        tpu.vector_store %arg10[%swap3A_282, %swap3A_283], %swap3A_286 {strides = array<i32>} : memref<512x128xf32, #tpu.memory_space<vmem>>, vector<1x16xf32>,
        %swap3A_287 = arith.index_cast %add3A_272 : i32 to index
        %swap3A_288 = arith.constant 48 : index
        %swap3A_289 = tpu.vector_load %arg10[%swap3A_287, %swap3A_288] {strides = array<i32>} : memref<512x128xf32, #tpu.memory_space<vmem>>, vector<1x16xf32>,
        %swap3A_290 = vector.shape_cast %swap3A_289 : vector<1x16xf32> to vector<16xf32>
        %swap3A_291 = vector.shape_cast %broadcast_in_dim3A_150 : vector<16xf32> to vector<1x16xf32>
        tpu.vector_store %arg10[%swap3A_287, %swap3A_288], %swap3A_291 {strides = array<i32>} : memref<512x128xf32, #tpu.memory_space<vmem>>, vector<1x16xf32>,
      } else {
      }
      %slice3A_171 = vector.extract_strided_slice %get3A_161 {offsets = [2], sizes = [1], strides = [1]} : vector<16xi32> to vector<1xi32>
      %squeeze3A_172 = vector.extract %slice3A_171[0] : i32 from vector<1xi32>
      %eq3A_173 = arith.constant 0 : i32
      %eq3A_174 = arith.cmpi eq, %squeeze3A_172, %eq3A_173 : i32
      %convert_element_type3A_175 = arith.extui %eq3A_174 : i1 to i32
      %cond3A_176 = arith.constant 0 : i32
      %cond3A_177 = arith.cmpi ne, %convert_element_type3A_175, %cond3A_176 : i32
      scf.if %cond3A_177 {
        %mul3A_269 = arith.constant 16 : i32
        %mul3A_270 = arith.muli %scan3A_157, %mul3A_269 : i32
        %add3A_271 = arith.constant 2 : i32
        %add3A_272 = arith.addi %mul3A_270, %add3A_271 : i32
        %swap3A = arith.index_cast %add3A_272 : i32 to index
        %swap3A_273 = arith.constant 0 : index
        %swap3A_274 = tpu.vector_load %arg10[%swap3A, %swap3A_273] {strides = array<i32>} : memref<512x128xf32, #tpu.memory_space<vmem>>, vector<1x16xf32>,
        %swap3A_275 = vector.shape_cast %swap3A_274 : vector<1x16xf32> to vector<16xf32>
        %swap3A_276 = vector.shape_cast %broadcast_in_dim3A_150 : vector<16xf32> to vector<1x16xf32>
        tpu.vector_store %arg10[%swap3A, %swap3A_273], %swap3A_276 {strides = array<i32>} : memref<512x128xf32, #tpu.memory_space<vmem>>, vector<1x16xf32>,
        %swap3A_277 = arith.index_cast %add3A_272 : i32 to index
        %swap3A_278 = arith.constant 16 : index
        %swap3A_279 = tpu.vector_load %arg10[%swap3A_277, %swap3A_278] {strides = array<i32>} : memref<512x128xf32, #tpu.memory_space<vmem>>, vector<1x16xf32>,
        %swap3A_280 = vector.shape_cast %swap3A_279 : vector<1x16xf32> to vector<16xf32>
        %swap3A_281 = vector.shape_cast %broadcast_in_dim3A_150 : vector<16xf32> to vector<1x16xf32>
        tpu.vector_store %arg10[%swap3A_277, %swap3A_278], %swap3A_281 {strides = array<i32>} : memref<512x128xf32, #tpu.memory_space<vmem>>, vector<1x16xf32>,
        %swap3A_282 = arith.index_cast %add3A_272 : i32 to index
        %swap3A_283 = arith.constant 32 : index
        %swap3A_284 = tpu.vector_load %arg10[%swap3A_282, %swap3A_283] {strides = array<i32>} : memref<512x128xf32, #tpu.memory_space<vmem>>, vector<1x16xf32>,
        %swap3A_285 = vector.shape_cast %swap3A_284 : vector<1x16xf32> to vector<16xf32>
        %swap3A_286 = vector.shape_cast %broadcast_in_dim3A_150 : vector<16xf32> to vector<1x16xf32>
        tpu.vector_store %arg10[%swap3A_282, %swap3A_283], %swap3A_286 {strides = array<i32>} : memref<512x128xf32, #tpu.memory_space<vmem>>, vector<1x16xf32>,
        %swap3A_287 = arith.index_cast %add3A_272 : i32 to index
        %swap3A_288 = arith.constant 48 : index
        %swap3A_289 = tpu.vector_load %arg10[%swap3A_287, %swap3A_288] {strides = array<i32>} : memref<512x128xf32, #tpu.memory_space<vmem>>, vector<1x16xf32>,
        %swap3A_290 = vector.shape_cast %swap3A_289 : vector<1x16xf32> to vector<16xf32>
        %swap3A_291 = vector.shape_cast %broadcast_in_dim3A_150 : vector<16xf32> to vector<1x16xf32>
        tpu.vector_store %arg10[%swap3A_287, %swap3A_288], %swap3A_291 {strides = array<i32>} : memref<512x128xf32, #tpu.memory_space<vmem>>, vector<1x16xf32>,
      } else {
      }
      %slice3A_178 = vector.extract_strided_slice %get3A_161 {offsets = [3], sizes = [1], strides = [1]} : vector<16xi32> to vector<1xi32>
      %squeeze3A_179 = vector.extract %slice3A_178[0] : i32 from vector<1xi32>
      %eq3A_180 = arith.constant 0 : i32
      %eq3A_181 = arith.cmpi eq, %squeeze3A_179, %eq3A_180 : i32
      %convert_element_type3A_182 = arith.extui %eq3A_181 : i1 to i32
      %cond3A_183 = arith.constant 0 : i32
      %cond3A_184 = arith.cmpi ne, %convert_element_type3A_182, %cond3A_183 : i32
      scf.if %cond3A_184 {
        %mul3A_269 = arith.constant 16 : i32
        %mul3A_270 = arith.muli %scan3A_157, %mul3A_269 : i32
        %add3A_271 = arith.constant 3 : i32
        %add3A_272 = arith.addi %mul3A_270, %add3A_271 : i32
        %swap3A = arith.index_cast %add3A_272 : i32 to index
        %swap3A_273 = arith.constant 0 : index
        %swap3A_274 = tpu.vector_load %arg10[%swap3A, %swap3A_273] {strides = array<i32>} : memref<512x128xf32, #tpu.memory_space<vmem>>, vector<1x16xf32>,
        %swap3A_275 = vector.shape_cast %swap3A_274 : vector<1x16xf32> to vector<16xf32>
        %swap3A_276 = vector.shape_cast %broadcast_in_dim3A_150 : vector<16xf32> to vector<1x16xf32>
        tpu.vector_store %arg10[%swap3A, %swap3A_273], %swap3A_276 {strides = array<i32>} : memref<512x128xf32, #tpu.memory_space<vmem>>, vector<1x16xf32>,
        %swap3A_277 = arith.index_cast %add3A_272 : i32 to index
        %swap3A_278 = arith.constant 16 : index
        %swap3A_279 = tpu.vector_load %arg10[%swap3A_277, %swap3A_278] {strides = array<i32>} : memref<512x128xf32, #tpu.memory_space<vmem>>, vector<1x16xf32>,
        %swap3A_280 = vector.shape_cast %swap3A_279 : vector<1x16xf32> to vector<16xf32>
        %swap3A_281 = vector.shape_cast %broadcast_in_dim3A_150 : vector<16xf32> to vector<1x16xf32>
        tpu.vector_store %arg10[%swap3A_277, %swap3A_278], %swap3A_281 {strides = array<i32>} : memref<512x128xf32, #tpu.memory_space<vmem>>, vector<1x16xf32>,
        %swap3A_282 = arith.index_cast %add3A_272 : i32 to index
        %swap3A_283 = arith.constant 32 : index
        %swap3A_284 = tpu.vector_load %arg10[%swap3A_282, %swap3A_283] {strides = array<i32>} : memref<512x128xf32, #tpu.memory_space<vmem>>, vector<1x16xf32>,
        %swap3A_285 = vector.shape_cast %swap3A_284 : vector<1x16xf32> to vector<16xf32>
        %swap3A_286 = vector.shape_cast %broadcast_in_dim3A_150 : vector<16xf32> to vector<1x16xf32>
        tpu.vector_store %arg10[%swap3A_282, %swap3A_283], %swap3A_286 {strides = array<i32>} : memref<512x128xf32, #tpu.memory_space<vmem>>, vector<1x16xf32>,
        %swap3A_287 = arith.index_cast %add3A_272 : i32 to index
        %swap3A_288 = arith.constant 48 : index
        %swap3A_289 = tpu.vector_load %arg10[%swap3A_287, %swap3A_288] {strides = array<i32>} : memref<512x128xf32, #tpu.memory_space<vmem>>, vector<1x16xf32>,
        %swap3A_290 = vector.shape_cast %swap3A_289 : vector<1x16xf32> to vector<16xf32>
        %swap3A_291 = vector.shape_cast %broadcast_in_dim3A_150 : vector<16xf32> to vector<1x16xf32>
        tpu.vector_store %arg10[%swap3A_287, %swap3A_288], %swap3A_291 {strides = array<i32>} : memref<512x128xf32, #tpu.memory_space<vmem>>, vector<1x16xf32>,
      } else {
      }
      %slice3A_185 = vector.extract_strided_slice %get3A_161 {offsets = [4], sizes = [1], strides = [1]} : vector<16xi32> to vector<1xi32>
      %squeeze3A_186 = vector.extract %slice3A_185[0] : i32 from vector<1xi32>
      %eq3A_187 = arith.constant 0 : i32
      %eq3A_188 = arith.cmpi eq, %squeeze3A_186, %eq3A_187 : i32
      %convert_element_type3A_189 = arith.extui %eq3A_188 : i1 to i32
      %cond3A_190 = arith.constant 0 : i32
      %cond3A_191 = arith.cmpi ne, %convert_element_type3A_189, %cond3A_190 : i32
      scf.if %cond3A_191 {
        %mul3A_269 = arith.constant 16 : i32
        %mul3A_270 = arith.muli %scan3A_157, %mul3A_269 : i32
        %add3A_271 = arith.constant 4 : i32
        %add3A_272 = arith.addi %mul3A_270, %add3A_271 : i32
        %swap3A = arith.index_cast %add3A_272 : i32 to index
        %swap3A_273 = arith.constant 0 : index
        %swap3A_274 = tpu.vector_load %arg10[%swap3A, %swap3A_273] {strides = array<i32>} : memref<512x128xf32, #tpu.memory_space<vmem>>, vector<1x16xf32>,
        %swap3A_275 = vector.shape_cast %swap3A_274 : vector<1x16xf32> to vector<16xf32>
        %swap3A_276 = vector.shape_cast %broadcast_in_dim3A_150 : vector<16xf32> to vector<1x16xf32>
        tpu.vector_store %arg10[%swap3A, %swap3A_273], %swap3A_276 {strides = array<i32>} : memref<512x128xf32, #tpu.memory_space<vmem>>, vector<1x16xf32>,
        %swap3A_277 = arith.index_cast %add3A_272 : i32 to index
        %swap3A_278 = arith.constant 16 : index
        %swap3A_279 = tpu.vector_load %arg10[%swap3A_277, %swap3A_278] {strides = array<i32>} : memref<512x128xf32, #tpu.memory_space<vmem>>, vector<1x16xf32>,
        %swap3A_280 = vector.shape_cast %swap3A_279 : vector<1x16xf32> to vector<16xf32>
        %swap3A_281 = vector.shape_cast %broadcast_in_dim3A_150 : vector<16xf32> to vector<1x16xf32>
        tpu.vector_store %arg10[%swap3A_277, %swap3A_278], %swap3A_281 {strides = array<i32>} : memref<512x128xf32, #tpu.memory_space<vmem>>, vector<1x16xf32>,
        %swap3A_282 = arith.index_cast %add3A_272 : i32 to index
        %swap3A_283 = arith.constant 32 : index
        %swap3A_284 = tpu.vector_load %arg10[%swap3A_282, %swap3A_283] {strides = array<i32>} : memref<512x128xf32, #tpu.memory_space<vmem>>, vector<1x16xf32>,
        %swap3A_285 = vector.shape_cast %swap3A_284 : vector<1x16xf32> to vector<16xf32>
        %swap3A_286 = vector.shape_cast %broadcast_in_dim3A_150 : vector<16xf32> to vector<1x16xf32>
        tpu.vector_store %arg10[%swap3A_282, %swap3A_283], %swap3A_286 {strides = array<i32>} : memref<512x128xf32, #tpu.memory_space<vmem>>, vector<1x16xf32>,
        %swap3A_287 = arith.index_cast %add3A_272 : i32 to index
        %swap3A_288 = arith.constant 48 : index
        %swap3A_289 = tpu.vector_load %arg10[%swap3A_287, %swap3A_288] {strides = array<i32>} : memref<512x128xf32, #tpu.memory_space<vmem>>, vector<1x16xf32>,
        %swap3A_290 = vector.shape_cast %swap3A_289 : vector<1x16xf32> to vector<16xf32>
        %swap3A_291 = vector.shape_cast %broadcast_in_dim3A_150 : vector<16xf32> to vector<1x16xf32>
        tpu.vector_store %arg10[%swap3A_287, %swap3A_288], %swap3A_291 {strides = array<i32>} : memref<512x128xf32, #tpu.memory_space<vmem>>, vector<1x16xf32>,
      } else {
      }
      %slice3A_192 = vector.extract_strided_slice %get3A_161 {offsets = [5], sizes = [1], strides = [1]} : vector<16xi32> to vector<1xi32>
      %squeeze3A_193 = vector.extract %slice3A_192[0] : i32 from vector<1xi32>
      %eq3A_194 = arith.constant 0 : i32
      %eq3A_195 = arith.cmpi eq, %squeeze3A_193, %eq3A_194 : i32
      %convert_element_type3A_196 = arith.extui %eq3A_195 : i1 to i32
      %cond3A_197 = arith.constant 0 : i32
      %cond3A_198 = arith.cmpi ne, %convert_element_type3A_196, %cond3A_197 : i32
      scf.if %cond3A_198 {
        %mul3A_269 = arith.constant 16 : i32
        %mul3A_270 = arith.muli %scan3A_157, %mul3A_269 : i32
        %add3A_271 = arith.constant 5 : i32
        %add3A_272 = arith.addi %mul3A_270, %add3A_271 : i32
        %swap3A = arith.index_cast %add3A_272 : i32 to index
        %swap3A_273 = arith.constant 0 : index
        %swap3A_274 = tpu.vector_load %arg10[%swap3A, %swap3A_273] {strides = array<i32>} : memref<512x128xf32, #tpu.memory_space<vmem>>, vector<1x16xf32>,
        %swap3A_275 = vector.shape_cast %swap3A_274 : vector<1x16xf32> to vector<16xf32>
        %swap3A_276 = vector.shape_cast %broadcast_in_dim3A_150 : vector<16xf32> to vector<1x16xf32>
        tpu.vector_store %arg10[%swap3A, %swap3A_273], %swap3A_276 {strides = array<i32>} : memref<512x128xf32, #tpu.memory_space<vmem>>, vector<1x16xf32>,
        %swap3A_277 = arith.index_cast %add3A_272 : i32 to index
        %swap3A_278 = arith.constant 16 : index
        %swap3A_279 = tpu.vector_load %arg10[%swap3A_277, %swap3A_278] {strides = array<i32>} : memref<512x128xf32, #tpu.memory_space<vmem>>, vector<1x16xf32>,
        %swap3A_280 = vector.shape_cast %swap3A_279 : vector<1x16xf32> to vector<16xf32>
        %swap3A_281 = vector.shape_cast %broadcast_in_dim3A_150 : vector<16xf32> to vector<1x16xf32>
        tpu.vector_store %arg10[%swap3A_277, %swap3A_278], %swap3A_281 {strides = array<i32>} : memref<512x128xf32, #tpu.memory_space<vmem>>, vector<1x16xf32>,
        %swap3A_282 = arith.index_cast %add3A_272 : i32 to index
        %swap3A_283 = arith.constant 32 : index
        %swap3A_284 = tpu.vector_load %arg10[%swap3A_282, %swap3A_283] {strides = array<i32>} : memref<512x128xf32, #tpu.memory_space<vmem>>, vector<1x16xf32>,
        %swap3A_285 = vector.shape_cast %swap3A_284 : vector<1x16xf32> to vector<16xf32>
        %swap3A_286 = vector.shape_cast %broadcast_in_dim3A_150 : vector<16xf32> to vector<1x16xf32>
        tpu.vector_store %arg10[%swap3A_282, %swap3A_283], %swap3A_286 {strides = array<i32>} : memref<512x128xf32, #tpu.memory_space<vmem>>, vector<1x16xf32>,
        %swap3A_287 = arith.index_cast %add3A_272 : i32 to index
        %swap3A_288 = arith.constant 48 : index
        %swap3A_289 = tpu.vector_load %arg10[%swap3A_287, %swap3A_288] {strides = array<i32>} : memref<512x128xf32, #tpu.memory_space<vmem>>, vector<1x16xf32>,
        %swap3A_290 = vector.shape_cast %swap3A_289 : vector<1x16xf32> to vector<16xf32>
        %swap3A_291 = vector.shape_cast %broadcast_in_dim3A_150 : vector<16xf32> to vector<1x16xf32>
        tpu.vector_store %arg10[%swap3A_287, %swap3A_288], %swap3A_291 {strides = array<i32>} : memref<512x128xf32, #tpu.memory_space<vmem>>, vector<1x16xf32>,
      } else {
      }
      %slice3A_199 = vector.extract_strided_slice %get3A_161 {offsets = [6], sizes = [1], strides = [1]} : vector<16xi32> to vector<1xi32>
      %squeeze3A_200 = vector.extract %slice3A_199[0] : i32 from vector<1xi32>
      %eq3A_201 = arith.constant 0 : i32
      %eq3A_202 = arith.cmpi eq, %squeeze3A_200, %eq3A_201 : i32
      %convert_element_type3A_203 = arith.extui %eq3A_202 : i1 to i32
      %cond3A_204 = arith.constant 0 : i32
      %cond3A_205 = arith.cmpi ne, %convert_element_type3A_203, %cond3A_204 : i32
      scf.if %cond3A_205 {
        %mul3A_269 = arith.constant 16 : i32
        %mul3A_270 = arith.muli %scan3A_157, %mul3A_269 : i32
        %add3A_271 = arith.constant 6 : i32
        %add3A_272 = arith.addi %mul3A_270, %add3A_271 : i32
        %swap3A = arith.index_cast %add3A_272 : i32 to index
        %swap3A_273 = arith.constant 0 : index
        %swap3A_274 = tpu.vector_load %arg10[%swap3A, %swap3A_273] {strides = array<i32>} : memref<512x128xf32, #tpu.memory_space<vmem>>, vector<1x16xf32>,
        %swap3A_275 = vector.shape_cast %swap3A_274 : vector<1x16xf32> to vector<16xf32>
        %swap3A_276 = vector.shape_cast %broadcast_in_dim3A_150 : vector<16xf32> to vector<1x16xf32>
        tpu.vector_store %arg10[%swap3A, %swap3A_273], %swap3A_276 {strides = array<i32>} : memref<512x128xf32, #tpu.memory_space<vmem>>, vector<1x16xf32>,
        %swap3A_277 = arith.index_cast %add3A_272 : i32 to index
        %swap3A_278 = arith.constant 16 : index
        %swap3A_279 = tpu.vector_load %arg10[%swap3A_277, %swap3A_278] {strides = array<i32>} : memref<512x128xf32, #tpu.memory_space<vmem>>, vector<1x16xf32>,
        %swap3A_280 = vector.shape_cast %swap3A_279 : vector<1x16xf32> to vector<16xf32>
        %swap3A_281 = vector.shape_cast %broadcast_in_dim3A_150 : vector<16xf32> to vector<1x16xf32>
        tpu.vector_store %arg10[%swap3A_277, %swap3A_278], %swap3A_281 {strides = array<i32>} : memref<512x128xf32, #tpu.memory_space<vmem>>, vector<1x16xf32>,
        %swap3A_282 = arith.index_cast %add3A_272 : i32 to index
        %swap3A_283 = arith.constant 32 : index
        %swap3A_284 = tpu.vector_load %arg10[%swap3A_282, %swap3A_283] {strides = array<i32>} : memref<512x128xf32, #tpu.memory_space<vmem>>, vector<1x16xf32>,
        %swap3A_285 = vector.shape_cast %swap3A_284 : vector<1x16xf32> to vector<16xf32>
        %swap3A_286 = vector.shape_cast %broadcast_in_dim3A_150 : vector<16xf32> to vector<1x16xf32>
        tpu.vector_store %arg10[%swap3A_282, %swap3A_283], %swap3A_286 {strides = array<i32>} : memref<512x128xf32, #tpu.memory_space<vmem>>, vector<1x16xf32>,
        %swap3A_287 = arith.index_cast %add3A_272 : i32 to index
        %swap3A_288 = arith.constant 48 : index
        %swap3A_289 = tpu.vector_load %arg10[%swap3A_287, %swap3A_288] {strides = array<i32>} : memref<512x128xf32, #tpu.memory_space<vmem>>, vector<1x16xf32>,
        %swap3A_290 = vector.shape_cast %swap3A_289 : vector<1x16xf32> to vector<16xf32>
        %swap3A_291 = vector.shape_cast %broadcast_in_dim3A_150 : vector<16xf32> to vector<1x16xf32>
        tpu.vector_store %arg10[%swap3A_287, %swap3A_288], %swap3A_291 {strides = array<i32>} : memref<512x128xf32, #tpu.memory_space<vmem>>, vector<1x16xf32>,
      } else {
      }
      %slice3A_206 = vector.extract_strided_slice %get3A_161 {offsets = [7], sizes = [1], strides = [1]} : vector<16xi32> to vector<1xi32>
      %squeeze3A_207 = vector.extract %slice3A_206[0] : i32 from vector<1xi32>
      %eq3A_208 = arith.constant 0 : i32
      %eq3A_209 = arith.cmpi eq, %squeeze3A_207, %eq3A_208 : i32
      %convert_element_type3A_210 = arith.extui %eq3A_209 : i1 to i32
      %cond3A_211 = arith.constant 0 : i32
      %cond3A_212 = arith.cmpi ne, %convert_element_type3A_210, %cond3A_211 : i32
      scf.if %cond3A_212 {
        %mul3A_269 = arith.constant 16 : i32
        %mul3A_270 = arith.muli %scan3A_157, %mul3A_269 : i32
        %add3A_271 = arith.constant 7 : i32
        %add3A_272 = arith.addi %mul3A_270, %add3A_271 : i32
        %swap3A = arith.index_cast %add3A_272 : i32 to index
        %swap3A_273 = arith.constant 0 : index
        %swap3A_274 = tpu.vector_load %arg10[%swap3A, %swap3A_273] {strides = array<i32>} : memref<512x128xf32, #tpu.memory_space<vmem>>, vector<1x16xf32>,
        %swap3A_275 = vector.shape_cast %swap3A_274 : vector<1x16xf32> to vector<16xf32>
        %swap3A_276 = vector.shape_cast %broadcast_in_dim3A_150 : vector<16xf32> to vector<1x16xf32>
        tpu.vector_store %arg10[%swap3A, %swap3A_273], %swap3A_276 {strides = array<i32>} : memref<512x128xf32, #tpu.memory_space<vmem>>, vector<1x16xf32>,
        %swap3A_277 = arith.index_cast %add3A_272 : i32 to index
        %swap3A_278 = arith.constant 16 : index
        %swap3A_279 = tpu.vector_load %arg10[%swap3A_277, %swap3A_278] {strides = array<i32>} : memref<512x128xf32, #tpu.memory_space<vmem>>, vector<1x16xf32>,
        %swap3A_280 = vector.shape_cast %swap3A_279 : vector<1x16xf32> to vector<16xf32>
        %swap3A_281 = vector.shape_cast %broadcast_in_dim3A_150 : vector<16xf32> to vector<1x16xf32>
        tpu.vector_store %arg10[%swap3A_277, %swap3A_278], %swap3A_281 {strides = array<i32>} : memref<512x128xf32, #tpu.memory_space<vmem>>, vector<1x16xf32>,
        %swap3A_282 = arith.index_cast %add3A_272 : i32 to index
        %swap3A_283 = arith.constant 32 : index
        %swap3A_284 = tpu.vector_load %arg10[%swap3A_282, %swap3A_283] {strides = array<i32>} : memref<512x128xf32, #tpu.memory_space<vmem>>, vector<1x16xf32>,
        %swap3A_285 = vector.shape_cast %swap3A_284 : vector<1x16xf32> to vector<16xf32>
        %swap3A_286 = vector.shape_cast %broadcast_in_dim3A_150 : vector<16xf32> to vector<1x16xf32>
        tpu.vector_store %arg10[%swap3A_282, %swap3A_283], %swap3A_286 {strides = array<i32>} : memref<512x128xf32, #tpu.memory_space<vmem>>, vector<1x16xf32>,
        %swap3A_287 = arith.index_cast %add3A_272 : i32 to index
        %swap3A_288 = arith.constant 48 : index
        %swap3A_289 = tpu.vector_load %arg10[%swap3A_287, %swap3A_288] {strides = array<i32>} : memref<512x128xf32, #tpu.memory_space<vmem>>, vector<1x16xf32>,
        %swap3A_290 = vector.shape_cast %swap3A_289 : vector<1x16xf32> to vector<16xf32>
        %swap3A_291 = vector.shape_cast %broadcast_in_dim3A_150 : vector<16xf32> to vector<1x16xf32>
        tpu.vector_store %arg10[%swap3A_287, %swap3A_288], %swap3A_291 {strides = array<i32>} : memref<512x128xf32, #tpu.memory_space<vmem>>, vector<1x16xf32>,
      } else {
      }
      %slice3A_213 = vector.extract_strided_slice %get3A_161 {offsets = [8], sizes = [1], strides = [1]} : vector<16xi32> to vector<1xi32>
      %squeeze3A_214 = vector.extract %slice3A_213[0] : i32 from vector<1xi32>
      %eq3A_215 = arith.constant 0 : i32
      %eq3A_216 = arith.cmpi eq, %squeeze3A_214, %eq3A_215 : i32
      %convert_element_type3A_217 = arith.extui %eq3A_216 : i1 to i32
      %cond3A_218 = arith.constant 0 : i32
      %cond3A_219 = arith.cmpi ne, %convert_element_type3A_217, %cond3A_218 : i32
      scf.if %cond3A_219 {
        %mul3A_269 = arith.constant 16 : i32
        %mul3A_270 = arith.muli %scan3A_157, %mul3A_269 : i32
        %add3A_271 = arith.constant 8 : i32
        %add3A_272 = arith.addi %mul3A_270, %add3A_271 : i32
        %swap3A = arith.index_cast %add3A_272 : i32 to index
        %swap3A_273 = arith.constant 0 : index
        %swap3A_274 = tpu.vector_load %arg10[%swap3A, %swap3A_273] {strides = array<i32>} : memref<512x128xf32, #tpu.memory_space<vmem>>, vector<1x16xf32>,
        %swap3A_275 = vector.shape_cast %swap3A_274 : vector<1x16xf32> to vector<16xf32>
        %swap3A_276 = vector.shape_cast %broadcast_in_dim3A_150 : vector<16xf32> to vector<1x16xf32>
        tpu.vector_store %arg10[%swap3A, %swap3A_273], %swap3A_276 {strides = array<i32>} : memref<512x128xf32, #tpu.memory_space<vmem>>, vector<1x16xf32>,
        %swap3A_277 = arith.index_cast %add3A_272 : i32 to index
        %swap3A_278 = arith.constant 16 : index
        %swap3A_279 = tpu.vector_load %arg10[%swap3A_277, %swap3A_278] {strides = array<i32>} : memref<512x128xf32, #tpu.memory_space<vmem>>, vector<1x16xf32>,
        %swap3A_280 = vector.shape_cast %swap3A_279 : vector<1x16xf32> to vector<16xf32>
        %swap3A_281 = vector.shape_cast %broadcast_in_dim3A_150 : vector<16xf32> to vector<1x16xf32>
        tpu.vector_store %arg10[%swap3A_277, %swap3A_278], %swap3A_281 {strides = array<i32>} : memref<512x128xf32, #tpu.memory_space<vmem>>, vector<1x16xf32>,
        %swap3A_282 = arith.index_cast %add3A_272 : i32 to index
        %swap3A_283 = arith.constant 32 : index
        %swap3A_284 = tpu.vector_load %arg10[%swap3A_282, %swap3A_283] {strides = array<i32>} : memref<512x128xf32, #tpu.memory_space<vmem>>, vector<1x16xf32>,
        %swap3A_285 = vector.shape_cast %swap3A_284 : vector<1x16xf32> to vector<16xf32>
        %swap3A_286 = vector.shape_cast %broadcast_in_dim3A_150 : vector<16xf32> to vector<1x16xf32>
        tpu.vector_store %arg10[%swap3A_282, %swap3A_283], %swap3A_286 {strides = array<i32>} : memref<512x128xf32, #tpu.memory_space<vmem>>, vector<1x16xf32>,
        %swap3A_287 = arith.index_cast %add3A_272 : i32 to index
        %swap3A_288 = arith.constant 48 : index
        %swap3A_289 = tpu.vector_load %arg10[%swap3A_287, %swap3A_288] {strides = array<i32>} : memref<512x128xf32, #tpu.memory_space<vmem>>, vector<1x16xf32>,
        %swap3A_290 = vector.shape_cast %swap3A_289 : vector<1x16xf32> to vector<16xf32>
        %swap3A_291 = vector.shape_cast %broadcast_in_dim3A_150 : vector<16xf32> to vector<1x16xf32>
        tpu.vector_store %arg10[%swap3A_287, %swap3A_288], %swap3A_291 {strides = array<i32>} : memref<512x128xf32, #tpu.memory_space<vmem>>, vector<1x16xf32>,
      } else {
      }
      %slice3A_220 = vector.extract_strided_slice %get3A_161 {offsets = [9], sizes = [1], strides = [1]} : vector<16xi32> to vector<1xi32>
      %squeeze3A_221 = vector.extract %slice3A_220[0] : i32 from vector<1xi32>
      %eq3A_222 = arith.constant 0 : i32
      %eq3A_223 = arith.cmpi eq, %squeeze3A_221, %eq3A_222 : i32
      %convert_element_type3A_224 = arith.extui %eq3A_223 : i1 to i32
      %cond3A_225 = arith.constant 0 : i32
      %cond3A_226 = arith.cmpi ne, %convert_element_type3A_224, %cond3A_225 : i32
      scf.if %cond3A_226 {
        %mul3A_269 = arith.constant 16 : i32
        %mul3A_270 = arith.muli %scan3A_157, %mul3A_269 : i32
        %add3A_271 = arith.constant 9 : i32
        %add3A_272 = arith.addi %mul3A_270, %add3A_271 : i32
        %swap3A = arith.index_cast %add3A_272 : i32 to index
        %swap3A_273 = arith.constant 0 : index
        %swap3A_274 = tpu.vector_load %arg10[%swap3A, %swap3A_273] {strides = array<i32>} : memref<512x128xf32, #tpu.memory_space<vmem>>, vector<1x16xf32>,
        %swap3A_275 = vector.shape_cast %swap3A_274 : vector<1x16xf32> to vector<16xf32>
        %swap3A_276 = vector.shape_cast %broadcast_in_dim3A_150 : vector<16xf32> to vector<1x16xf32>
        tpu.vector_store %arg10[%swap3A, %swap3A_273], %swap3A_276 {strides = array<i32>} : memref<512x128xf32, #tpu.memory_space<vmem>>, vector<1x16xf32>,
        %swap3A_277 = arith.index_cast %add3A_272 : i32 to index
        %swap3A_278 = arith.constant 16 : index
        %swap3A_279 = tpu.vector_load %arg10[%swap3A_277, %swap3A_278] {strides = array<i32>} : memref<512x128xf32, #tpu.memory_space<vmem>>, vector<1x16xf32>,
        %swap3A_280 = vector.shape_cast %swap3A_279 : vector<1x16xf32> to vector<16xf32>
        %swap3A_281 = vector.shape_cast %broadcast_in_dim3A_150 : vector<16xf32> to vector<1x16xf32>
        tpu.vector_store %arg10[%swap3A_277, %swap3A_278], %swap3A_281 {strides = array<i32>} : memref<512x128xf32, #tpu.memory_space<vmem>>, vector<1x16xf32>,
        %swap3A_282 = arith.index_cast %add3A_272 : i32 to index
        %swap3A_283 = arith.constant 32 : index
        %swap3A_284 = tpu.vector_load %arg10[%swap3A_282, %swap3A_283] {strides = array<i32>} : memref<512x128xf32, #tpu.memory_space<vmem>>, vector<1x16xf32>,
        %swap3A_285 = vector.shape_cast %swap3A_284 : vector<1x16xf32> to vector<16xf32>
        %swap3A_286 = vector.shape_cast %broadcast_in_dim3A_150 : vector<16xf32> to vector<1x16xf32>
        tpu.vector_store %arg10[%swap3A_282, %swap3A_283], %swap3A_286 {strides = array<i32>} : memref<512x128xf32, #tpu.memory_space<vmem>>, vector<1x16xf32>,
        %swap3A_287 = arith.index_cast %add3A_272 : i32 to index
        %swap3A_288 = arith.constant 48 : index
        %swap3A_289 = tpu.vector_load %arg10[%swap3A_287, %swap3A_288] {strides = array<i32>} : memref<512x128xf32, #tpu.memory_space<vmem>>, vector<1x16xf32>,
        %swap3A_290 = vector.shape_cast %swap3A_289 : vector<1x16xf32> to vector<16xf32>
        %swap3A_291 = vector.shape_cast %broadcast_in_dim3A_150 : vector<16xf32> to vector<1x16xf32>
        tpu.vector_store %arg10[%swap3A_287, %swap3A_288], %swap3A_291 {strides = array<i32>} : memref<512x128xf32, #tpu.memory_space<vmem>>, vector<1x16xf32>,
      } else {
      }
      %slice3A_227 = vector.extract_strided_slice %get3A_161 {offsets = [10], sizes = [1], strides = [1]} : vector<16xi32> to vector<1xi32>
      %squeeze3A_228 = vector.extract %slice3A_227[0] : i32 from vector<1xi32>
      %eq3A_229 = arith.constant 0 : i32
      %eq3A_230 = arith.cmpi eq, %squeeze3A_228, %eq3A_229 : i32
      %convert_element_type3A_231 = arith.extui %eq3A_230 : i1 to i32
      %cond3A_232 = arith.constant 0 : i32
      %cond3A_233 = arith.cmpi ne, %convert_element_type3A_231, %cond3A_232 : i32
      scf.if %cond3A_233 {
        %mul3A_269 = arith.constant 16 : i32
        %mul3A_270 = arith.muli %scan3A_157, %mul3A_269 : i32
        %add3A_271 = arith.constant 10 : i32
        %add3A_272 = arith.addi %mul3A_270, %add3A_271 : i32
        %swap3A = arith.index_cast %add3A_272 : i32 to index
        %swap3A_273 = arith.constant 0 : index
        %swap3A_274 = tpu.vector_load %arg10[%swap3A, %swap3A_273] {strides = array<i32>} : memref<512x128xf32, #tpu.memory_space<vmem>>, vector<1x16xf32>,
        %swap3A_275 = vector.shape_cast %swap3A_274 : vector<1x16xf32> to vector<16xf32>
        %swap3A_276 = vector.shape_cast %broadcast_in_dim3A_150 : vector<16xf32> to vector<1x16xf32>
        tpu.vector_store %arg10[%swap3A, %swap3A_273], %swap3A_276 {strides = array<i32>} : memref<512x128xf32, #tpu.memory_space<vmem>>, vector<1x16xf32>,
        %swap3A_277 = arith.index_cast %add3A_272 : i32 to index
        %swap3A_278 = arith.constant 16 : index
        %swap3A_279 = tpu.vector_load %arg10[%swap3A_277, %swap3A_278] {strides = array<i32>} : memref<512x128xf32, #tpu.memory_space<vmem>>, vector<1x16xf32>,
        %swap3A_280 = vector.shape_cast %swap3A_279 : vector<1x16xf32> to vector<16xf32>
        %swap3A_281 = vector.shape_cast %broadcast_in_dim3A_150 : vector<16xf32> to vector<1x16xf32>
        tpu.vector_store %arg10[%swap3A_277, %swap3A_278], %swap3A_281 {strides = array<i32>} : memref<512x128xf32, #tpu.memory_space<vmem>>, vector<1x16xf32>,
        %swap3A_282 = arith.index_cast %add3A_272 : i32 to index
        %swap3A_283 = arith.constant 32 : index
        %swap3A_284 = tpu.vector_load %arg10[%swap3A_282, %swap3A_283] {strides = array<i32>} : memref<512x128xf32, #tpu.memory_space<vmem>>, vector<1x16xf32>,
        %swap3A_285 = vector.shape_cast %swap3A_284 : vector<1x16xf32> to vector<16xf32>
        %swap3A_286 = vector.shape_cast %broadcast_in_dim3A_150 : vector<16xf32> to vector<1x16xf32>
        tpu.vector_store %arg10[%swap3A_282, %swap3A_283], %swap3A_286 {strides = array<i32>} : memref<512x128xf32, #tpu.memory_space<vmem>>, vector<1x16xf32>,
        %swap3A_287 = arith.index_cast %add3A_272 : i32 to index
        %swap3A_288 = arith.constant 48 : index
        %swap3A_289 = tpu.vector_load %arg10[%swap3A_287, %swap3A_288] {strides = array<i32>} : memref<512x128xf32, #tpu.memory_space<vmem>>, vector<1x16xf32>,
        %swap3A_290 = vector.shape_cast %swap3A_289 : vector<1x16xf32> to vector<16xf32>
        %swap3A_291 = vector.shape_cast %broadcast_in_dim3A_150 : vector<16xf32> to vector<1x16xf32>
        tpu.vector_store %arg10[%swap3A_287, %swap3A_288], %swap3A_291 {strides = array<i32>} : memref<512x128xf32, #tpu.memory_space<vmem>>, vector<1x16xf32>,
      } else {
      }
      %slice3A_234 = vector.extract_strided_slice %get3A_161 {offsets = [11], sizes = [1], strides = [1]} : vector<16xi32> to vector<1xi32>
      %squeeze3A_235 = vector.extract %slice3A_234[0] : i32 from vector<1xi32>
      %eq3A_236 = arith.constant 0 : i32
      %eq3A_237 = arith.cmpi eq, %squeeze3A_235, %eq3A_236 : i32
      %convert_element_type3A_238 = arith.extui %eq3A_237 : i1 to i32
      %cond3A_239 = arith.constant 0 : i32
      %cond3A_240 = arith.cmpi ne, %convert_element_type3A_238, %cond3A_239 : i32
      scf.if %cond3A_240 {
        %mul3A_269 = arith.constant 16 : i32
        %mul3A_270 = arith.muli %scan3A_157, %mul3A_269 : i32
        %add3A_271 = arith.constant 11 : i32
        %add3A_272 = arith.addi %mul3A_270, %add3A_271 : i32
        %swap3A = arith.index_cast %add3A_272 : i32 to index
        %swap3A_273 = arith.constant 0 : index
        %swap3A_274 = tpu.vector_load %arg10[%swap3A, %swap3A_273] {strides = array<i32>} : memref<512x128xf32, #tpu.memory_space<vmem>>, vector<1x16xf32>,
        %swap3A_275 = vector.shape_cast %swap3A_274 : vector<1x16xf32> to vector<16xf32>
        %swap3A_276 = vector.shape_cast %broadcast_in_dim3A_150 : vector<16xf32> to vector<1x16xf32>
        tpu.vector_store %arg10[%swap3A, %swap3A_273], %swap3A_276 {strides = array<i32>} : memref<512x128xf32, #tpu.memory_space<vmem>>, vector<1x16xf32>,
        %swap3A_277 = arith.index_cast %add3A_272 : i32 to index
        %swap3A_278 = arith.constant 16 : index
        %swap3A_279 = tpu.vector_load %arg10[%swap3A_277, %swap3A_278] {strides = array<i32>} : memref<512x128xf32, #tpu.memory_space<vmem>>, vector<1x16xf32>,
        %swap3A_280 = vector.shape_cast %swap3A_279 : vector<1x16xf32> to vector<16xf32>
        %swap3A_281 = vector.shape_cast %broadcast_in_dim3A_150 : vector<16xf32> to vector<1x16xf32>
        tpu.vector_store %arg10[%swap3A_277, %swap3A_278], %swap3A_281 {strides = array<i32>} : memref<512x128xf32, #tpu.memory_space<vmem>>, vector<1x16xf32>,
        %swap3A_282 = arith.index_cast %add3A_272 : i32 to index
        %swap3A_283 = arith.constant 32 : index
        %swap3A_284 = tpu.vector_load %arg10[%swap3A_282, %swap3A_283] {strides = array<i32>} : memref<512x128xf32, #tpu.memory_space<vmem>>, vector<1x16xf32>,
        %swap3A_285 = vector.shape_cast %swap3A_284 : vector<1x16xf32> to vector<16xf32>
        %swap3A_286 = vector.shape_cast %broadcast_in_dim3A_150 : vector<16xf32> to vector<1x16xf32>
        tpu.vector_store %arg10[%swap3A_282, %swap3A_283], %swap3A_286 {strides = array<i32>} : memref<512x128xf32, #tpu.memory_space<vmem>>, vector<1x16xf32>,
        %swap3A_287 = arith.index_cast %add3A_272 : i32 to index
        %swap3A_288 = arith.constant 48 : index
        %swap3A_289 = tpu.vector_load %arg10[%swap3A_287, %swap3A_288] {strides = array<i32>} : memref<512x128xf32, #tpu.memory_space<vmem>>, vector<1x16xf32>,
        %swap3A_290 = vector.shape_cast %swap3A_289 : vector<1x16xf32> to vector<16xf32>
        %swap3A_291 = vector.shape_cast %broadcast_in_dim3A_150 : vector<16xf32> to vector<1x16xf32>
        tpu.vector_store %arg10[%swap3A_287, %swap3A_288], %swap3A_291 {strides = array<i32>} : memref<512x128xf32, #tpu.memory_space<vmem>>, vector<1x16xf32>,
      } else {
      }
      %slice3A_241 = vector.extract_strided_slice %get3A_161 {offsets = [12], sizes = [1], strides = [1]} : vector<16xi32> to vector<1xi32>
      %squeeze3A_242 = vector.extract %slice3A_241[0] : i32 from vector<1xi32>
      %eq3A_243 = arith.constant 0 : i32
      %eq3A_244 = arith.cmpi eq, %squeeze3A_242, %eq3A_243 : i32
      %convert_element_type3A_245 = arith.extui %eq3A_244 : i1 to i32
      %cond3A_246 = arith.constant 0 : i32
      %cond3A_247 = arith.cmpi ne, %convert_element_type3A_245, %cond3A_246 : i32
      scf.if %cond3A_247 {
        %mul3A_269 = arith.constant 16 : i32
        %mul3A_270 = arith.muli %scan3A_157, %mul3A_269 : i32
        %add3A_271 = arith.constant 12 : i32
        %add3A_272 = arith.addi %mul3A_270, %add3A_271 : i32
        %swap3A = arith.index_cast %add3A_272 : i32 to index
        %swap3A_273 = arith.constant 0 : index
        %swap3A_274 = tpu.vector_load %arg10[%swap3A, %swap3A_273] {strides = array<i32>} : memref<512x128xf32, #tpu.memory_space<vmem>>, vector<1x16xf32>,
        %swap3A_275 = vector.shape_cast %swap3A_274 : vector<1x16xf32> to vector<16xf32>
        %swap3A_276 = vector.shape_cast %broadcast_in_dim3A_150 : vector<16xf32> to vector<1x16xf32>
        tpu.vector_store %arg10[%swap3A, %swap3A_273], %swap3A_276 {strides = array<i32>} : memref<512x128xf32, #tpu.memory_space<vmem>>, vector<1x16xf32>,
        %swap3A_277 = arith.index_cast %add3A_272 : i32 to index
        %swap3A_278 = arith.constant 16 : index
        %swap3A_279 = tpu.vector_load %arg10[%swap3A_277, %swap3A_278] {strides = array<i32>} : memref<512x128xf32, #tpu.memory_space<vmem>>, vector<1x16xf32>,
        %swap3A_280 = vector.shape_cast %swap3A_279 : vector<1x16xf32> to vector<16xf32>
        %swap3A_281 = vector.shape_cast %broadcast_in_dim3A_150 : vector<16xf32> to vector<1x16xf32>
        tpu.vector_store %arg10[%swap3A_277, %swap3A_278], %swap3A_281 {strides = array<i32>} : memref<512x128xf32, #tpu.memory_space<vmem>>, vector<1x16xf32>,
        %swap3A_282 = arith.index_cast %add3A_272 : i32 to index
        %swap3A_283 = arith.constant 32 : index
        %swap3A_284 = tpu.vector_load %arg10[%swap3A_282, %swap3A_283] {strides = array<i32>} : memref<512x128xf32, #tpu.memory_space<vmem>>, vector<1x16xf32>,
        %swap3A_285 = vector.shape_cast %swap3A_284 : vector<1x16xf32> to vector<16xf32>
        %swap3A_286 = vector.shape_cast %broadcast_in_dim3A_150 : vector<16xf32> to vector<1x16xf32>
        tpu.vector_store %arg10[%swap3A_282, %swap3A_283], %swap3A_286 {strides = array<i32>} : memref<512x128xf32, #tpu.memory_space<vmem>>, vector<1x16xf32>,
        %swap3A_287 = arith.index_cast %add3A_272 : i32 to index
        %swap3A_288 = arith.constant 48 : index
        %swap3A_289 = tpu.vector_load %arg10[%swap3A_287, %swap3A_288] {strides = array<i32>} : memref<512x128xf32, #tpu.memory_space<vmem>>, vector<1x16xf32>,
        %swap3A_290 = vector.shape_cast %swap3A_289 : vector<1x16xf32> to vector<16xf32>
        %swap3A_291 = vector.shape_cast %broadcast_in_dim3A_150 : vector<16xf32> to vector<1x16xf32>
        tpu.vector_store %arg10[%swap3A_287, %swap3A_288], %swap3A_291 {strides = array<i32>} : memref<512x128xf32, #tpu.memory_space<vmem>>, vector<1x16xf32>,
      } else {
      }
      %slice3A_248 = vector.extract_strided_slice %get3A_161 {offsets = [13], sizes = [1], strides = [1]} : vector<16xi32> to vector<1xi32>
      %squeeze3A_249 = vector.extract %slice3A_248[0] : i32 from vector<1xi32>
      %eq3A_250 = arith.constant 0 : i32
      %eq3A_251 = arith.cmpi eq, %squeeze3A_249, %eq3A_250 : i32
      %convert_element_type3A_252 = arith.extui %eq3A_251 : i1 to i32
      %cond3A_253 = arith.constant 0 : i32
      %cond3A_254 = arith.cmpi ne, %convert_element_type3A_252, %cond3A_253 : i32
      scf.if %cond3A_254 {
        %mul3A_269 = arith.constant 16 : i32
        %mul3A_270 = arith.muli %scan3A_157, %mul3A_269 : i32
        %add3A_271 = arith.constant 13 : i32
        %add3A_272 = arith.addi %mul3A_270, %add3A_271 : i32
        %swap3A = arith.index_cast %add3A_272 : i32 to index
        %swap3A_273 = arith.constant 0 : index
        %swap3A_274 = tpu.vector_load %arg10[%swap3A, %swap3A_273] {strides = array<i32>} : memref<512x128xf32, #tpu.memory_space<vmem>>, vector<1x16xf32>,
        %swap3A_275 = vector.shape_cast %swap3A_274 : vector<1x16xf32> to vector<16xf32>
        %swap3A_276 = vector.shape_cast %broadcast_in_dim3A_150 : vector<16xf32> to vector<1x16xf32>
        tpu.vector_store %arg10[%swap3A, %swap3A_273], %swap3A_276 {strides = array<i32>} : memref<512x128xf32, #tpu.memory_space<vmem>>, vector<1x16xf32>,
        %swap3A_277 = arith.index_cast %add3A_272 : i32 to index
        %swap3A_278 = arith.constant 16 : index
        %swap3A_279 = tpu.vector_load %arg10[%swap3A_277, %swap3A_278] {strides = array<i32>} : memref<512x128xf32, #tpu.memory_space<vmem>>, vector<1x16xf32>,
        %swap3A_280 = vector.shape_cast %swap3A_279 : vector<1x16xf32> to vector<16xf32>
        %swap3A_281 = vector.shape_cast %broadcast_in_dim3A_150 : vector<16xf32> to vector<1x16xf32>
        tpu.vector_store %arg10[%swap3A_277, %swap3A_278], %swap3A_281 {strides = array<i32>} : memref<512x128xf32, #tpu.memory_space<vmem>>, vector<1x16xf32>,
        %swap3A_282 = arith.index_cast %add3A_272 : i32 to index
        %swap3A_283 = arith.constant 32 : index
        %swap3A_284 = tpu.vector_load %arg10[%swap3A_282, %swap3A_283] {strides = array<i32>} : memref<512x128xf32, #tpu.memory_space<vmem>>, vector<1x16xf32>,
        %swap3A_285 = vector.shape_cast %swap3A_284 : vector<1x16xf32> to vector<16xf32>
        %swap3A_286 = vector.shape_cast %broadcast_in_dim3A_150 : vector<16xf32> to vector<1x16xf32>
        tpu.vector_store %arg10[%swap3A_282, %swap3A_283], %swap3A_286 {strides = array<i32>} : memref<512x128xf32, #tpu.memory_space<vmem>>, vector<1x16xf32>,
        %swap3A_287 = arith.index_cast %add3A_272 : i32 to index
        %swap3A_288 = arith.constant 48 : index
        %swap3A_289 = tpu.vector_load %arg10[%swap3A_287, %swap3A_288] {strides = array<i32>} : memref<512x128xf32, #tpu.memory_space<vmem>>, vector<1x16xf32>,
        %swap3A_290 = vector.shape_cast %swap3A_289 : vector<1x16xf32> to vector<16xf32>
        %swap3A_291 = vector.shape_cast %broadcast_in_dim3A_150 : vector<16xf32> to vector<1x16xf32>
        tpu.vector_store %arg10[%swap3A_287, %swap3A_288], %swap3A_291 {strides = array<i32>} : memref<512x128xf32, #tpu.memory_space<vmem>>, vector<1x16xf32>,
      } else {
      }
      %slice3A_255 = vector.extract_strided_slice %get3A_161 {offsets = [14], sizes = [1], strides = [1]} : vector<16xi32> to vector<1xi32>
      %squeeze3A_256 = vector.extract %slice3A_255[0] : i32 from vector<1xi32>
      %eq3A_257 = arith.constant 0 : i32
      %eq3A_258 = arith.cmpi eq, %squeeze3A_256, %eq3A_257 : i32
      %convert_element_type3A_259 = arith.extui %eq3A_258 : i1 to i32
      %cond3A_260 = arith.constant 0 : i32
      %cond3A_261 = arith.cmpi ne, %convert_element_type3A_259, %cond3A_260 : i32
      scf.if %cond3A_261 {
        %mul3A_269 = arith.constant 16 : i32
        %mul3A_270 = arith.muli %scan3A_157, %mul3A_269 : i32
        %add3A_271 = arith.constant 14 : i32
        %add3A_272 = arith.addi %mul3A_270, %add3A_271 : i32
        %swap3A = arith.index_cast %add3A_272 : i32 to index
        %swap3A_273 = arith.constant 0 : index
        %swap3A_274 = tpu.vector_load %arg10[%swap3A, %swap3A_273] {strides = array<i32>} : memref<512x128xf32, #tpu.memory_space<vmem>>, vector<1x16xf32>,
        %swap3A_275 = vector.shape_cast %swap3A_274 : vector<1x16xf32> to vector<16xf32>
        %swap3A_276 = vector.shape_cast %broadcast_in_dim3A_150 : vector<16xf32> to vector<1x16xf32>
        tpu.vector_store %arg10[%swap3A, %swap3A_273], %swap3A_276 {strides = array<i32>} : memref<512x128xf32, #tpu.memory_space<vmem>>, vector<1x16xf32>,
        %swap3A_277 = arith.index_cast %add3A_272 : i32 to index
        %swap3A_278 = arith.constant 16 : index
        %swap3A_279 = tpu.vector_load %arg10[%swap3A_277, %swap3A_278] {strides = array<i32>} : memref<512x128xf32, #tpu.memory_space<vmem>>, vector<1x16xf32>,
        %swap3A_280 = vector.shape_cast %swap3A_279 : vector<1x16xf32> to vector<16xf32>
        %swap3A_281 = vector.shape_cast %broadcast_in_dim3A_150 : vector<16xf32> to vector<1x16xf32>
        tpu.vector_store %arg10[%swap3A_277, %swap3A_278], %swap3A_281 {strides = array<i32>} : memref<512x128xf32, #tpu.memory_space<vmem>>, vector<1x16xf32>,
        %swap3A_282 = arith.index_cast %add3A_272 : i32 to index
        %swap3A_283 = arith.constant 32 : index
        %swap3A_284 = tpu.vector_load %arg10[%swap3A_282, %swap3A_283] {strides = array<i32>} : memref<512x128xf32, #tpu.memory_space<vmem>>, vector<1x16xf32>,
        %swap3A_285 = vector.shape_cast %swap3A_284 : vector<1x16xf32> to vector<16xf32>
        %swap3A_286 = vector.shape_cast %broadcast_in_dim3A_150 : vector<16xf32> to vector<1x16xf32>
        tpu.vector_store %arg10[%swap3A_282, %swap3A_283], %swap3A_286 {strides = array<i32>} : memref<512x128xf32, #tpu.memory_space<vmem>>, vector<1x16xf32>,
        %swap3A_287 = arith.index_cast %add3A_272 : i32 to index
        %swap3A_288 = arith.constant 48 : index
        %swap3A_289 = tpu.vector_load %arg10[%swap3A_287, %swap3A_288] {strides = array<i32>} : memref<512x128xf32, #tpu.memory_space<vmem>>, vector<1x16xf32>,
        %swap3A_290 = vector.shape_cast %swap3A_289 : vector<1x16xf32> to vector<16xf32>
        %swap3A_291 = vector.shape_cast %broadcast_in_dim3A_150 : vector<16xf32> to vector<1x16xf32>
        tpu.vector_store %arg10[%swap3A_287, %swap3A_288], %swap3A_291 {strides = array<i32>} : memref<512x128xf32, #tpu.memory_space<vmem>>, vector<1x16xf32>,
      } else {
      }
      %slice3A_262 = vector.extract_strided_slice %get3A_161 {offsets = [15], sizes = [1], strides = [1]} : vector<16xi32> to vector<1xi32>
      %squeeze3A_263 = vector.extract %slice3A_262[0] : i32 from vector<1xi32>
      %eq3A_264 = arith.constant 0 : i32
      %eq3A_265 = arith.cmpi eq, %squeeze3A_263, %eq3A_264 : i32
      %convert_element_type3A_266 = arith.extui %eq3A_265 : i1 to i32
      %cond3A_267 = arith.constant 0 : i32
      %cond3A_268 = arith.cmpi ne, %convert_element_type3A_266, %cond3A_267 : i32
      scf.if %cond3A_268 {
        %mul3A_269 = arith.constant 16 : i32
        %mul3A_270 = arith.muli %scan3A_157, %mul3A_269 : i32
        %add3A_271 = arith.constant 15 : i32
        %add3A_272 = arith.addi %mul3A_270, %add3A_271 : i32
        %swap3A = arith.index_cast %add3A_272 : i32 to index
        %swap3A_273 = arith.constant 0 : index
        %swap3A_274 = tpu.vector_load %arg10[%swap3A, %swap3A_273] {strides = array<i32>} : memref<512x128xf32, #tpu.memory_space<vmem>>, vector<1x16xf32>,
        %swap3A_275 = vector.shape_cast %swap3A_274 : vector<1x16xf32> to vector<16xf32>
        %swap3A_276 = vector.shape_cast %broadcast_in_dim3A_150 : vector<16xf32> to vector<1x16xf32>
        tpu.vector_store %arg10[%swap3A, %swap3A_273], %swap3A_276 {strides = array<i32>} : memref<512x128xf32, #tpu.memory_space<vmem>>, vector<1x16xf32>,
        %swap3A_277 = arith.index_cast %add3A_272 : i32 to index
        %swap3A_278 = arith.constant 16 : index
        %swap3A_279 = tpu.vector_load %arg10[%swap3A_277, %swap3A_278] {strides = array<i32>} : memref<512x128xf32, #tpu.memory_space<vmem>>, vector<1x16xf32>,
        %swap3A_280 = vector.shape_cast %swap3A_279 : vector<1x16xf32> to vector<16xf32>
        %swap3A_281 = vector.shape_cast %broadcast_in_dim3A_150 : vector<16xf32> to vector<1x16xf32>
        tpu.vector_store %arg10[%swap3A_277, %swap3A_278], %swap3A_281 {strides = array<i32>} : memref<512x128xf32, #tpu.memory_space<vmem>>, vector<1x16xf32>,
        %swap3A_282 = arith.index_cast %add3A_272 : i32 to index
        %swap3A_283 = arith.constant 32 : index
        %swap3A_284 = tpu.vector_load %arg10[%swap3A_282, %swap3A_283] {strides = array<i32>} : memref<512x128xf32, #tpu.memory_space<vmem>>, vector<1x16xf32>,
        %swap3A_285 = vector.shape_cast %swap3A_284 : vector<1x16xf32> to vector<16xf32>
        %swap3A_286 = vector.shape_cast %broadcast_in_dim3A_150 : vector<16xf32> to vector<1x16xf32>
        tpu.vector_store %arg10[%swap3A_282, %swap3A_283], %swap3A_286 {strides = array<i32>} : memref<512x128xf32, #tpu.memory_space<vmem>>, vector<1x16xf32>,
        %swap3A_287 = arith.index_cast %add3A_272 : i32 to index
        %swap3A_288 = arith.constant 48 : index
        %swap3A_289 = tpu.vector_load %arg10[%swap3A_287, %swap3A_288] {strides = array<i32>} : memref<512x128xf32, #tpu.memory_space<vmem>>, vector<1x16xf32>,
        %swap3A_290 = vector.shape_cast %swap3A_289 : vector<1x16xf32> to vector<16xf32>
        %swap3A_291 = vector.shape_cast %broadcast_in_dim3A_150 : vector<16xf32> to vector<1x16xf32>
        tpu.vector_store %arg10[%swap3A_287, %swap3A_288], %swap3A_291 {strides = array<i32>} : memref<512x128xf32, #tpu.memory_space<vmem>>, vector<1x16xf32>,
      } else {
      }
    }
    %scan3A_156 = arith.constant 32 : i32
    "tpu.region"() ({
      %run_scoped3A = tpu.sem_alloc : memref<!tpu.dma_semaphore, #tpu.memory_space<semaphore_mem>>
      %dma_start3A_157 = arith.constant 0 : i32
      %dma_start3A_158 = tpu.memref_slice %arg6[%mul3A_2, %dma_start3A_157] : memref<16384x128xf32, #tpu.memory_space<hbm>> -> memref<512x128xf32, #tpu.memory_space<hbm>>
      %dma_start3A_159 = arith.constant 0 : i32
      %dma_start3A_160 = tpu.memref_slice %arg6[%mul3A_2, %dma_start3A_159] : memref<16384x128xf32, #tpu.memory_space<hbm>> -> memref<512x128xf32, #tpu.memory_space<hbm>>
      tpu.enqueue_dma source(%arg10 : memref<512x128xf32, #tpu.memory_space<vmem>>) target(%dma_start3A_160 : memref<512x128xf32, #tpu.memory_space<hbm>>) target_semaphore(%run_scoped3A : memref<!tpu.dma_semaphore, #tpu.memory_space<semaphore_mem>>)
      %dma_wait3A_161 = arith.constant 0 : i32
      %dma_wait3A_162 = tpu.memref_slice %arg6[%mul3A_2, %dma_wait3A_161] : memref<16384x128xf32, #tpu.memory_space<hbm>> -> memref<512x128xf32, #tpu.memory_space<hbm>>
      %dma_wait3A_163 = arith.constant 0 : i32
      %dma_wait3A_164 = tpu.memref_slice %arg6[%mul3A_2, %dma_wait3A_163] : memref<16384x128xf32, #tpu.memory_space<hbm>> -> memref<512x128xf32, #tpu.memory_space<hbm>>
      tpu.wait_dma2 semaphore(%run_scoped3A : memref<!tpu.dma_semaphore, #tpu.memory_space<semaphore_mem>>) src(%arg10 : memref<512x128xf32, #tpu.memory_space<vmem>>) dst(%dma_wait3A_164 : memref<512x128xf32, #tpu.memory_space<hbm>>)
      tpu.yield
    }) : () -> ()
    return
  }
}

</mosaic_0001>

<sc_bundles>
// kernel: kernel.3.cloned.1.call-start
scs
__scs_entry_jumppad:
0x0: {  	(pc) =	sbr.rel $0x88, $3  }
0x1: {  	(tag) =	ssettag $0x0;
	lr =	simm.s32 $0x1  }
0x2: {  	[smem:$0x3F9D] =	sst lr;
	_ =	strace $0xD0000000  }
0x3: {  	_ = 	snop  }
0x4: {  	_ = 	snop  }
0x5: {  	_ = 	snop  }
0x6: {  	_ = 	snop  }
0x7: {  	_ = 	snop  }
__scs_overlays_trampoline_lowered:
0x8: {  	[smem:$0x3FAC] =	sst s0  }
0x9: {  	[smem:$0x3FAD] =	sst s1  }
0xa: {  	[smem:$0x3FAE] =	sst s2  }
0xb: {  	[smem:$0x3FAF] =	sst s3  }
0xc: {  	[smem:$0x3FB0] =	sst s4  }
0xd: {  	[smem:$0x3FB1] =	sst s5  }
0xe: {  	[smem:$0x3FB2] =	sst s6  }
0xf: {  	[smem:$0x3FB3] =	sst s7  }
0x10: {  	[smem:$0x3FB4] =	sst s8  }
0x11: {  	[smem:$0x3FB5] =	sst s9;
	s0 =	simm.s32 @!p0 $0x0  }
0x12: {  	s1 =	sld [smem:$0x3F9B];
	s0 =	simm.s32 @p0 $0x1  }
0x13: {  	[smem:$0x3FB6] =	sst s0;
	s0 =	simm.s32 @!p1 $0x0  }
0x14: {  	s2 =	sld [smem:$0x3F9A];
	s0 =	simm.s32 @p1 $0x1  }
0x15: {  	[smem:$0x3FB7] =	sst s0;
	s0 =	simm.s32 @!p2 $0x0  }
0x16: {  	s3 =	sld [smem:$0x3FDB];
	s0 =	simm.s32 @p2 $0x1  }
0x17: {  	s4 =	simm.s32 $0x1BF5;
	[smem:$0x3FB9] =	sst s0  }
0x18: {  	s0 =	sld [smem:$0x3F9C];
	_ =	swait.ge [sflag:s4], $0x0  }
0x19: {  	s7 =	sld [smem:$0x3F9D]  }
0x1a: {  	s8 =	sadd.s32 $0xFFFFE003, lr  }
0x1b: {  	s9 =	sadd.s32 $0xFFFFFEF7, lr;
	s5 =	simm.s32 $0xFFFFFFFF;
	p2 =	slt.u32 s8, $0xFFFFF086  }
0x1c: {  	p1 =	slt.u32 s9, $0xF7A;
	s5 =	simm.s32 @!p2 $0x0  }
0x1d: {  	s5 =	simm.s32 @p1 $0x1;
	p0 =	seq.s32 s7, s2  }
0x1e: {  	s7 =	smul.u32 @!p0 $0xF7A, s2;
	p2 =	seq.s32 @!p0 s5, $0x0  }
0x1f: {  	s9 =	smul.u32 $0xF7A, s1;
	s8 =	simm.s32 @!p0 $0x1BF5;
	p2 =	por !p2, p0  }
0x20: {  	[sflag:s8] =	ssyncset.s32 @!p0 $0xFFFFF086;
	s6 =	sadd.s32 @!p0 s3, s7;
	s7 =	simm.s32 @!p0 $0x108  }
0x21: {  	s3 =	sadd.s32 s3, s9;
	s6 =	sadd.s32 @!p0 $0x88, s6;
	s7 =	simm.s32 @p2 $0x1082  }
0x22: {  	[simem:s7], [sflag:s8] =	dma.local @!p0 [hbm:s6], $0xF7A  }
0x23: {  	s9 =	sor.u32 $0xD0000000, s2;
	s6 =	simm.s32 $0x108;
	_ =	swait.ge @!p0 [sflag:s8], $0x0  }
0x24: {  	s3 =	sadd.s32 $0x88, s3;
	s6 =	simm.s32 @!p1 $0x1082;
	[sflag:s4] =	ssyncset.s32 $0xFFFFF086  }
0x25: {  	[simem:s6], [sflag:s4] =	dma.local [hbm:s3], $0xF7A  }
0x26: {  	[smem:$0x3F9D] =	sst s1;
	(tag) =	ssettag s2;
	_ =	strace s9  }
0x27: {  	s1 =	sld [smem:$0x3FAD]  }
0x28: {  	s2 =	sld [smem:$0x3FAE]  }
0x29: {  	s4 =	sld [smem:$0x3FB0]  }
0x2a: {  	p0 =	seq.s32 s5, $0x0;
	s5 =	sld [smem:$0x3FB1]  }
0x2b: {  	s6 =	sld [smem:$0x3FB2]  }
0x2c: {  	s7 =	sld [smem:$0x3FB3]  }
0x2d: {  	s3 =	simm.s32 $0x108;
	s8 =	sld [smem:$0x3FB4]  }
0x2e: {  	s3 =	simm.s32 @!p0 $0x1082;
	s9 =	sld [smem:$0x3FB5]  }
0x2f: {  	lr =	sadd.s32 s0, s3;
	s0 =	sld [smem:$0x3FAC]  }
0x30: {  	s3 =	sld [smem:$0x3FAF]  }
0x31: {  	[smem:$0x3FB8] =	sst s10  }
0x32: {  	s10 =	sld [smem:$0x3FB6];
	_ =	sdelay $0x3  }
0x33: {  	p0 =	seq.s32 s10, $0x1;
	s10 =	sld [smem:$0x3FB8];
	_ =	sdelay $0x3  }
0x34: {  	[smem:$0x3FB8] =	sst s10  }
0x35: {  	s10 =	sld [smem:$0x3FB7];
	_ =	sdelay $0x3  }
0x36: {  	p1 =	seq.s32 s10, $0x1;
	s10 =	sld [smem:$0x3FB8];
	_ =	sdelay $0x3  }
0x37: {  	[smem:$0x3FB8] =	sst s10  }
0x38: {  	s10 =	sld [smem:$0x3FB9]  }
0x39: {  	_ = 	snop;
	(pc) =	sbr.ind lr, $3  }
0x3a: {  	_ = 	snop  }
0x3b: {  	_ = 	snop  }
0x3c: {  	p2 =	seq.s32 s10, $0x1;
	s10 =	sld [smem:$0x3FB8]  }
0x3d: {  	_ =	shalt  }
0x3e: {  	_ =	shalt  }
0x3f: {  	_ =	shalt  }
0x40: {  	_ =	shalt  }
0x41: {  	_ =	shalt  }
0x42: {  	_ =	shalt  }
0x43: {  	_ =	shalt  }
0x44: {  	_ =	shalt  }
0x45: {  	_ =	shalt  }
0x46: {  	_ =	shalt  }
0x47: {  	_ =	shalt  }
0x48: {  	_ =	shalt  }
0x49: {  	_ =	shalt  }
0x4a: {  	_ =	shalt  }
0x4b: {  	_ =	shalt  }
0x4c: {  	_ =	shalt  }
0x4d: {  	_ =	shalt  }
0x4e: {  	_ =	shalt  }
0x4f: {  	_ =	shalt  }
0x50: {  	_ =	shalt  }
0x51: {  	_ =	shalt  }
0x52: {  	_ =	shalt  }
0x53: {  	_ =	shalt  }
0x54: {  	_ =	shalt  }
0x55: {  	_ =	shalt  }
0x56: {  	_ =	shalt  }
0x57: {  	_ =	shalt  }
0x58: {  	_ =	shalt  }
0x59: {  	_ =	shalt  }
0x5a: {  	_ =	shalt  }
0x5b: {  	_ =	shalt  }
0x5c: {  	_ =	shalt  }
0x5d: {  	_ =	shalt  }
0x5e: {  	_ =	shalt  }
0x5f: {  	_ =	shalt  }
0x60: {  	_ =	shalt  }
0x61: {  	_ =	shalt  }
0x62: {  	_ =	shalt  }
0x63: {  	_ =	shalt  }
0x64: {  	_ =	shalt  }
0x65: {  	_ =	shalt  }
0x66: {  	_ =	shalt  }
0x67: {  	_ =	shalt  }
0x68: {  	_ =	shalt  }
0x69: {  	_ =	shalt  }
0x6a: {  	_ =	shalt  }
0x6b: {  	_ =	shalt  }
0x6c: {  	_ =	shalt  }
0x6d: {  	_ =	shalt  }
0x6e: {  	_ =	shalt  }
0x6f: {  	_ =	shalt  }
0x70: {  	_ =	shalt  }
0x71: {  	_ =	shalt  }
0x72: {  	_ =	shalt  }
0x73: {  	_ =	shalt  }
0x74: {  	_ =	shalt  }
0x75: {  	_ =	shalt  }
0x76: {  	_ =	shalt  }
0x77: {  	_ =	shalt  }
0x78: {  	_ =	shalt  }
0x79: {  	_ =	shalt  }
0x7a: {  	_ =	shalt  }
0x7b: {  	_ =	shalt  }
0x7c: {  	_ =	shalt  }
0x7d: {  	_ =	shalt  }
0x7e: {  	_ =	shalt  }
0x7f: {  	_ =	shalt  }
0x80: {  	_ =	shalt  }
0x81: {  	_ =	shalt  }
0x82: {  	_ =	shalt  }
0x83: {  	_ =	shalt  }
0x84: {  	_ =	shalt  }
0x85: {  	_ =	shalt  }
0x86: {  	_ =	shalt  }
0x87: {  	_ =	shalt  }
.Lfunc_end0:
.L_simem_size_0:
called_computation_lowered:
.L_overlay_start_0:
0x88: {  	s2 =	sld [smem:$0x3FD9]  }
0x89: {  	s3 =	sld [smem:$0x3FFE];
	_ =	sdelay $0x1  }
0x8a: {  	s1 =	srdreg.scid  }
0x8b: {  	s0 =	sand.u32 $0x1, s1  }
0x8c: {  	s17 =	sshll.u32 s0, $0xA;
	s2 =	sadd.s32 s3, s2  }
0x8d: {  	s2 =	sadd.s32 s2, s17  }
0x8e: {  	[smem:$0x3FC4] =	sst s2  }
0x8f: {  	_ = 	snop  }
0x90: {  	s2 =	sld [smem:$0x3FC9]  }
0x91: {  	s18 =	sld [smem:$0x3FC8]  }
0x92: {  	s4 =	sld [smem:$0x3FD0];
	(tm) =	ssettm $0x1  }
0x93: {  	s5 =	sld [smem:$0x3FFB];
	_ =	sdelay $0x3  }
0x94: {  	_ =	strace s5  }
0x95: {  	s5 =	sld [smem:$0x3FFC];
	_ =	sdelay $0x3  }
0x96: {  	_ =	strace s5  }
0x97: {  	s5 =	sld [smem:$0x3FFD];
	_ =	sdelay $0x3  }
0x98: {  	_ =	strace s5  }
0x99: {  	_ =	strace $0x8FFFFFFF  }
0x9a: {  	s19 =	sld [smem:$0x3FDB];
	_ =	sdelay $0x1  }
0x9b: {  	s6 =	simm.s32 $_scs_section_size  }
0x9c: {  	s7 =	simm.s32 $_size__tile_overlayer_lowered;
	s8 =	simm.s32 $_tile_overlayer_lowered  }
0x9d: {  	s22 =	simm.s32 $0x1BFF;
	s21 =	sshll.u32 s8, $0x1;
	s5 =	sadd.s32 s6, s19  }
0x9e: {  	s9 =	simm.s32 $0x0;
	s20 =	sshll.u32 s7, $0x1;
	s7 =	sadd.s32 s21, s5  }
0x9f: {  	[timem:s9], [sflag:s22] =	dma.local [hbm:s7], s20  }
0xa0: {  	_ =	swait.ge [sflag:s22], s20  }
0xa1: {  	s6 =	ssub.s32 $0x0, s20;
	[sflag:s22] =	ssyncset.done $0x0  }
0xa2: {  	[sflag:s22] =	ssyncadd.s32 s6;
	_ =	sdelay $0x1  }
0xa3: {  	s23 =	simm.s32 $0x1B8B  }
0xa4: {  	_ =	swait.ge [sflag:s23], $0x1  }
0xa5: {  	[sflag:s23] =	ssyncset.done $0x0  }
0xa6: {  	s25 =	simm.s32 $0x1B8E;
	s24 =	sld [smem:$0x3FFE];
	[sflag:s23] =	ssyncadd.s32 $0xFFFFFFFF  }
0xa7: {  	s26 =	simm.s32 $execute0_lowered;
	[smem:$0x3FD2] =	sst s25  }
0xa8: {  	s7 =	sshll.u32 s26, $0x1;
	_ =	strace $0x80000046;
	[dreg:$0x1] =	wrdreg $0xFFFFFFFF  }
0xa9: {  	s28 =	simm.s32 $_size_execute0_lowered;
	s5 =	sadd.s32 s5, s7;
	[dreg:$0x0] =	wrdreg $0x0  }
0xaa: {  	s7 =	sshll.u32 s28, $0x1;
	[dreg:$0x2] =	wrdreg s5  }
0xab: {  	[dreg:$0x3] =	wrdreg s7  }
0xac: {  	[dreg:$0x4] =	wrdreg $0xC0  }
0xad: {  	_ =	task [dreg:s9], $0x5FFFF  }
0xae: {  	[dreg:$0x1] =	wrdreg $0xFFFFFFFF  }
0xaf: {  	[dreg:$0x0] =	wrdreg $0x60  }
0xb0: {  	[dreg:$0x2] =	wrdreg s2  }
0xb1: {  	[dreg:$0x3] =	wrdreg s18  }
0xb2: {  	[dreg:$0x4] =	wrdreg s4  }
0xb3: {  	[dreg:$0x5] =	wrdreg s24  }
0xb4: {  	[dreg:$0x6] =	wrdreg $0x9  }
0xb5: {  	_ =	task.clear_ibuf [dreg:s9], $0x7FFFF;
	_ =	strace $0x90000046  }
0xb6: {  	s29 =	simm.s32 $0x9;
	_ =	strace $0x80000048  }
0xb7: {  	_ =	swait.ge [sflag:s29], $0x1  }
0xb8: {  	[sflag:s29] =	ssyncadd.s32 $0xFFFFFFFF  }
0xb9: {  	_ =	strace $0x90000048  }
0xba: {  	_ =	sfence  }
0xbb: {  	s30 =	sld [smem:$0x0];
	_ =	sdelay $0x2  }
0xbc: {  	s31 =	sshll.u32 s1, $0xD;
	s1 =	sshrl.u32 s1, $0x2  }
0xbd: {  	s3 =	sand.u32 $0x4000, s31;
	s1 =	sadd.s32 s1, s30  }
0xbe: {  	s0 =	sor.u32 s3, s0;
	s1 =	sshll.u32 s1, $0x11  }
0xbf: {  	s0 =	sor.u32 s1, s0  }
0xc0: {  	s0 =	sadd.s32 $0x8F2B, s0  }
0xc1: {  	[sflag:s0] =	ssyncadd.remote.s32 $0x1  }
0xc2: {  	_ =	sfence.sel $0xFFFF  }
0xc3: {  	[dreg:$0x0] =	wrdreg $0xFFFFFFFF;
	(pc) =	sbr.abs _section_cstart, $3  }
0xc4: {  	[dreg:$0x1] =	wrdreg $0xFFFFFFFF  }
0xc5: {  	_ =	task.clear_ibuf [dreg:s9], $0x2FFFF;
	_ =	strace $0x9FFFFFFF  }
0xc6: {  	(tm) =	ssettm $0x7FFFFFFF  }
0xc7: {  	_ =	shalt  }
tec
execute0_lowered:
.L_overlay_start_1:
0x0: {  	(tag) =	ssettag $0x1  }
0x1: {  	s0 =	rddreg [dreg:$0x0]  }
0x2: {  	s2 =	rddreg [dreg:$0x1]  }
0x3: {  	s1 =	rddreg [dreg:$0x2]  }
0x4: {  	s5 =	rddreg [dreg:$0x3];
	s4 =	srdreg.scid;
	s3 =	simm.s32 $0x0  }
0x5: {  	s7 =	stileid.u32;
	s13 =	simm.s32 $0x200;
	s14 =	simm.s32 $0x4  }
0x6: {  	s15 =	simm.s32 $0x80;
	s16 =	simm.s32 $0x400;
	s18 =	simm.s32 $0x4400  }
0x7: {  	s19 =	simm.s32 $0x300;
	s20 =	simm.s32 $0x8400;
	s21 =	simm.s32 $0x380  }
0x8: {  	s22 =	simm.s32 $0xC400;
	s23 =	simm.s32 $0x10400;
	s28 =	simm.s32 $0x100  }
0x9: {  	s29 =	simm.s32 $0x180;
	s30 =	simm.s32 $0x1;
	s31 =	simm.s32 $0x0  }
0xa: {  	s6 =	sand.u32 $0x1, s4;
	[smem:$0x7FF] =	sst s3;
	s24 =	sshll.u32 s7, $0xA  }
0xb: {  	s4 =	sadd.s32 $0x800, s5;
	s25 =	sshll.u32 s6, $0x9;
	s6 =	ssub.s32 $0x2, s6  }
0xc: {  	_ =	strace $0x80000047;
	s7 =	sor.u32 s25, s24;
	s26 =	sshrl.u32 s6, $0x1  }
0xd: {  	s24 =	simm.s32 $0x14400;
	s25 =	simm.s32 $0x2;
	s8 =	sshll.u32 s7, $0x4  }
0xe: {  	s7 =	sshrl.u32 s7, $0x3;
	s12 =	ssub.s32 s6, s26;
	s11 =	sadd.s32 s8, s5  }
0xf: {  	s26 =	simm.s32 $0x3;
	s5 =	sadd.s32 s2, s7;
	s6 =	sadd.s32 $0xF82E00, s11  }
0x10: {  	s7 =	sadd.s32 s0, s7;
	s8 =	sadd.s32 $0xF83600, s11;
	s9 =	sadd.s32 $0xF83E00, s11  }
0x11: {  	v0 =	vlaneseq.u32;
	s12 =	smax.u32 s12, $0x1;
	s10 =	sadd.s32 $0xF84600, s11;
	s11 =	sadd.s32 $0xF42E00, s11  }
.LBB2_1:
0x12: {  	[tilespmem:s13], [sflag:$0x4] =	stream.linear.gather [hbm4b:s5+s3], $0x200, $0x38;
	[tilespmem:$0x18400] =	vst v63  }
0x13: {  	_ =	swait.ge [sflag:s14], $0x200  }
0x14: {  	[sflag:s14] =	ssyncset.done $0x0  }
0x15: {  	[sflag:s14] =	ssyncadd.s32 $0xFFFFFE00  }
0x16: {  	[tilespmem:s3], [sflag:$0x4] =	stream.linear.gather [hbm4b:s7+s3], $0x200, $0x38;
	[tilespmem:$0x18400] =	vst v63  }
0x17: {  	_ =	swait.ge [sflag:s14], $0x200  }
0x18: {  	[sflag:s14] =	ssyncset.done $0x0  }
0x19: {  	[sflag:s14] =	ssyncadd.s32 $0xFFFFFE00  }
0x1a: {  	s2 =	simm.s32 $0x10;
	s17 =	simm.s32 $0x0;
	s0 =	simm.s32 $0x0;
	v1 =	vld [tilespmem:s3+$0x0]  }
.LBB2_2:
0x1b: {  	p0 =	sne.s32 s2, $0x1F0;
	v2 =	vor.u32 s17, v0;
	s17 =	smov.u32 s2  }
0x1c: {  	v2 =	vand.u32 $0x3F, v2  }
.Ltmp0:
0x1d: {  	v2 =	vmul.u32 $0x9, v2;
	(pc) =	sbr.rel @p0 .LBB2_2-.Ltmp0, $4  }
0x1e: {  	_ = 	snop  }
0x1f: {  	v1 =	vadd.s32 v2, v1  }
0x20: {  	[tilespmem:s0+$0x0] =	vst v1;
	s0 =	sadd.s32 $0x10, s0  }
0x21: {  	s2 =	sadd.s32 $0x10, s2;
	v1 =	vld [tilespmem:s0+$0x0]  }
0x22: {  	v2 =	vor.u32 s17, v0  }
0x23: {  	v2 =	vand.u32 $0x3F, v2  }
0x24: {  	v2 =	vmul.u32 $0x9, v2;
	_ =	sdelay $0x1  }
0x25: {  	v1 =	vadd.s32 v2, v1  }
0x26: {  	[tilespmem:s0+$0x0] =	vst v1  }
0x27: {  	[tilespmem:s16], [sflag:$0x1] =	stream.indirect.gather [hbm4b:s4+s15], $0x80, s13, s15, $0xb8;
	[tilespmem:$0x18400] =	vst v63  }
0x28: {  	s17 =	simm.s32 $0x280  }
0x29: {  	[tilespmem:s18], [sflag:$0x1] =	stream.indirect.gather [hbm4b:s4+s15], $0x80, s17, s15, $0xb8;
	[tilespmem:$0x18400] =	vst v63  }
0x2a: {  	_ = 	snop  }
0x2b: {  	[tilespmem:s20], [sflag:$0x1] =	stream.indirect.gather [hbm4b:s4+s15], $0x80, s19, s15, $0xb8;
	[tilespmem:$0x18400] =	vst v63  }
0x2c: {  	_ = 	snop  }
0x2d: {  	[tilespmem:s22], [sflag:$0x1] =	stream.indirect.gather [hbm4b:s4+s15], $0x80, s21, s15, $0xb8;
	[tilespmem:$0x18400] =	vst v63  }
0x2e: {  	s2 =	simm.s32 $0x0  }
0x2f: {  	[tilespmem:s23], [sflag:$0x2] =	stream.indirect.gather [hbm4b:s1+s15], $0x80, s2, s15, $0xb8;
	[tilespmem:$0x18400] =	vst v63  }
0x30: {  	_ = 	snop  }
0x31: {  	[tilespmem:s24], [sflag:$0x2] =	stream.indirect.gather [hbm4b:s1+s15], $0x80, s15, s15, $0xb8;
	[tilespmem:$0x18400] =	vst v63  }
0x32: {  	_ =	swait.ge [sflag:s25], $0x4000  }
0x33: {  	[sflag:s25] =	ssyncset.done $0x0  }
0x34: {  	[sflag:s25] =	ssyncadd.s32 $0xFFFFC000  }
0x35: {  	[hbm4b:s6+s2] =	stream.linear.scatter [tilespmem:s23], [sflag:$0x3], $0x4000, $0x38;
	[tilespmem:$0x18400] =	vst v63  }
0x36: {  	_ =	swait.ge [sflag:s25], $0x4000  }
0x37: {  	[sflag:s25] =	ssyncset.done $0x0  }
0x38: {  	[sflag:s25] =	ssyncadd.s32 $0xFFFFC000  }
0x39: {  	[hbm4b:s8+s2] =	stream.linear.scatter [tilespmem:s24], [sflag:$0x3], $0x4000, $0x38;
	[tilespmem:$0x18400] =	vst v63  }
0x3a: {  	_ =	swait.ge [sflag:s26], $0x4000  }
0x3b: {  	[sflag:s26] =	ssyncset.done $0x0  }
0x3c: {  	[sflag:s26] =	ssyncadd.s32 $0xFFFFC000  }
0x3d: {  	[tilespmem:s23], [sflag:$0x2] =	stream.indirect.gather [hbm4b:s1+s15], $0x80, s28, s15, $0xb8;
	[tilespmem:$0x18400] =	vst v63  }
0x3e: {  	_ =	swait.ge [sflag:s26], $0x4000  }
0x3f: {  	[sflag:s26] =	ssyncset.done $0x0  }
0x40: {  	[sflag:s26] =	ssyncadd.s32 $0xFFFFC000  }
0x41: {  	[tilespmem:s24], [sflag:$0x2] =	stream.indirect.gather [hbm4b:s1+s15], $0x80, s29, s15, $0xb8;
	[tilespmem:$0x18400] =	vst v63  }
0x42: {  	_ =	swait.ge [sflag:s25], $0x4000  }
0x43: {  	[sflag:s25] =	ssyncset.done $0x0  }
0x44: {  	[sflag:s25] =	ssyncadd.s32 $0xFFFFC000  }
0x45: {  	[hbm4b:s9+s2] =	stream.linear.scatter [tilespmem:s23], [sflag:$0x3], $0x4000, $0x38;
	[tilespmem:$0x18400] =	vst v63  }
0x46: {  	_ =	swait.ge [sflag:s25], $0x4000  }
0x47: {  	[sflag:s25] =	ssyncset.done $0x0  }
0x48: {  	[sflag:s25] =	ssyncadd.s32 $0xFFFFC000  }
0x49: {  	[hbm4b:s10+s2] =	stream.linear.scatter [tilespmem:s24], [sflag:$0x3], $0x4000, $0x38;
	[tilespmem:$0x18400] =	vst v63  }
0x4a: {  	_ =	swait.ge [sflag:s26], $0x4000  }
0x4b: {  	[sflag:s26] =	ssyncset.done $0x0  }
0x4c: {  	[sflag:s26] =	ssyncadd.s32 $0xFFFFC000  }
0x4d: {  	_ =	swait.ge [sflag:s26], $0x4000  }
0x4e: {  	[sflag:s26] =	ssyncset.done $0x0  }
0x4f: {  	[sflag:s26] =	ssyncadd.s32 $0xFFFFC000  }
0x50: {  	_ =	swait.ge [sflag:s30], $0x4000  }
0x51: {  	[sflag:s30] =	ssyncset.done $0x0  }
0x52: {  	[sflag:s30] =	ssyncadd.s32 $0xFFFFC000  }
0x53: {  	_ =	swait.ge [sflag:s30], $0x4000  }
0x54: {  	[sflag:s30] =	ssyncset.done $0x0  }
0x55: {  	[sflag:s30] =	ssyncadd.s32 $0xFFFFC000  }
0x56: {  	_ =	swait.ge [sflag:s30], $0x4000  }
0x57: {  	[sflag:s30] =	ssyncset.done $0x0  }
0x58: {  	[sflag:s30] =	ssyncadd.s32 $0xFFFFC000  }
0x59: {  	_ =	swait.ge [sflag:s30], $0x4000  }
0x5a: {  	[sflag:s30] =	ssyncset.done $0x0  }
0x5b: {  	s17 =	simm.s32 $0x0;
	[sflag:s30] =	ssyncadd.s32 $0xFFFFC000  }
0x5c: {  	v1 =	vld [tilespmem:s17+$0x200];
	_ =	sdelay $0x4  }
0x5d: {  	(v2sf) =	vpush v1, $0x0;
	_ =	sdelay $0x3  }
0x5e: {  	(v2sf) =	vpush v1, $0x1;
	_ =	sdelay $0x3  }
0x5f: {  	(v2sf) =	vpush v1, $0x2;
	_ =	sdelay $0x3  }
0x60: {  	(v2sf) =	vpush v1, $0x3;
	_ =	sdelay $0x2  }
0x61: {  	s2 =	spop (v2sf)  }
0x62: {  	(v2sf) =	vpush v1, $0x4;
	p0 =	sne.s32 s2, $0x0  }
0x63: {  	s0 =	simm.s32 $0x800;
	v2 =	vimm.f32 @!p0 $0.0e+00  }
0x64: {  	[tilespmem:s0+$0xFFFFFC00] =	vst @!p0 v2  }
0x65: {  	s2 =	spop (v2sf);
	[tilespmem:s0+$0xFFFFFC10] =	vst @!p0 v2  }
0x66: {  	(v2sf) =	vpush v1, $0x5;
	p1 =	sne.s32 s2, $0x0;
	[tilespmem:s0+$0xFFFFFC20] =	vst @!p0 v2  }
0x67: {  	v3 =	vimm.f32 @!p1 $0.0e+00;
	[tilespmem:s0+$0xFFFFFC30] =	vst @!p0 v2  }
0x68: {  	[tilespmem:s0+$0xFFFFFC80] =	vst @!p1 v3  }
0x69: {  	s17 =	spop (v2sf);
	[tilespmem:s0+$0xFFFFFC90] =	vst @!p1 v3  }
0x6a: {  	(v2sf) =	vpush v1, $0x6;
	p0 =	sne.s32 s17, $0x0;
	[tilespmem:s0+$0xFFFFFCA0] =	vst @!p1 v3  }
0x6b: {  	v2 =	vimm.f32 @!p0 $0.0e+00;
	[tilespmem:s0+$0xFFFFFCB0] =	vst @!p1 v3  }
0x6c: {  	[tilespmem:s0+$0xFFFFFD00] =	vst @!p0 v2  }
0x6d: {  	s17 =	spop (v2sf);
	[tilespmem:s0+$0xFFFFFD10] =	vst @!p0 v2  }
0x6e: {  	(v2sf) =	vpush v1, $0x7;
	p1 =	sne.s32 s17, $0x0;
	[tilespmem:s0+$0xFFFFFD20] =	vst @!p0 v2  }
0x6f: {  	v3 =	vimm.f32 @!p1 $0.0e+00;
	[tilespmem:s0+$0xFFFFFD30] =	vst @!p0 v2  }
0x70: {  	[tilespmem:s0+$0xFFFFFD80] =	vst @!p1 v3  }
0x71: {  	[tilespmem:s0+$0xFFFFFD90] =	vst @!p1 v3;
	s17 =	spop (v2sf)  }
0x72: {  	[tilespmem:s0+$0xFFFFFDA0] =	vst @!p1 v3;
	(v2sf) =	vpush v1, $0x8;
	p0 =	sne.s32 s17, $0x0  }
0x73: {  	[tilespmem:s0+$0xFFFFFDB0] =	vst @!p1 v3;
	v2 =	vimm.f32 @!p0 $0.0e+00  }
0x74: {  	[tilespmem:s0+$0xFFFFFE00] =	vst @!p0 v2  }
0x75: {  	s17 =	spop (v2sf);
	[tilespmem:s0+$0xFFFFFE10] =	vst @!p0 v2  }
0x76: {  	(v2sf) =	vpush v1, $0x9;
	p1 =	sne.s32 s17, $0x0;
	[tilespmem:s0+$0xFFFFFE20] =	vst @!p0 v2  }
0x77: {  	v3 =	vimm.f32 @!p1 $0.0e+00;
	[tilespmem:s0+$0xFFFFFE30] =	vst @!p0 v2  }
0x78: {  	[tilespmem:s0+$0xFFFFFE80] =	vst @!p1 v3  }
0x79: {  	s17 =	spop (v2sf);
	[tilespmem:s0+$0xFFFFFE90] =	vst @!p1 v3  }
0x7a: {  	(v2sf) =	vpush v1, $0xA;
	p0 =	sne.s32 s17, $0x0;
	[tilespmem:s0+$0xFFFFFEA0] =	vst @!p1 v3  }
0x7b: {  	v2 =	vimm.f32 @!p0 $0.0e+00;
	[tilespmem:s0+$0xFFFFFEB0] =	vst @!p1 v3  }
0x7c: {  	[tilespmem:s0+$0xFFFFFF00] =	vst @!p0 v2  }
0x7d: {  	s17 =	spop (v2sf);
	[tilespmem:s0+$0xFFFFFF10] =	vst @!p0 v2  }
0x7e: {  	(v2sf) =	vpush v1, $0xB;
	p1 =	sne.s32 s17, $0x0;
	[tilespmem:s0+$0xFFFFFF20] =	vst @!p0 v2  }
0x7f: {  	v3 =	vimm.f32 @!p1 $0.0e+00;
	[tilespmem:s0+$0xFFFFFF30] =	vst @!p0 v2  }
0x80: {  	[tilespmem:s0+$0xFFFFFF80] =	vst @!p1 v3  }
0x81: {  	[tilespmem:s0+$0xFFFFFF90] =	vst @!p1 v3;
	s17 =	spop (v2sf)  }
0x82: {  	[tilespmem:s0+$0xFFFFFFA0] =	vst @!p1 v3;
	(v2sf) =	vpush v1, $0xC;
	p0 =	sne.s32 s17, $0x0  }
0x83: {  	[tilespmem:s0+$0xFFFFFFB0] =	vst @!p1 v3;
	v2 =	vimm.f32 @!p0 $0.0e+00  }
0x84: {  	[tilespmem:s0+$0x0] =	vst @!p0 v2  }
0x85: {  	s17 =	spop (v2sf);
	[tilespmem:s0+$0x10] =	vst @!p0 v2  }
0x86: {  	(v2sf) =	vpush v1, $0xD;
	p1 =	sne.s32 s17, $0x0;
	[tilespmem:s0+$0x20] =	vst @!p0 v2  }
0x87: {  	v3 =	vimm.f32 @!p1 $0.0e+00;
	[tilespmem:s0+$0x30] =	vst @!p0 v2  }
0x88: {  	[tilespmem:s0+$0x80] =	vst @!p1 v3  }
0x89: {  	s17 =	spop (v2sf);
	[tilespmem:s0+$0x90] =	vst @!p1 v3  }
0x8a: {  	(v2sf) =	vpush v1, $0xE;
	p0 =	sne.s32 s17, $0x0;
	[tilespmem:s0+$0xA0] =	vst @!p1 v3  }
0x8b: {  	v2 =	vimm.f32 @!p0 $0.0e+00;
	[tilespmem:s0+$0xB0] =	vst @!p1 v3  }
0x8c: {  	[tilespmem:s0+$0x100] =	vst @!p0 v2  }
0x8d: {  	s17 =	spop (v2sf);
	[tilespmem:s0+$0x110] =	vst @!p0 v2  }
0x8e: {  	(v2sf) =	vpush v1, $0xF;
	p1 =	sne.s32 s17, $0x0;
	[tilespmem:s0+$0x120] =	vst @!p0 v2  }
0x8f: {  	v1 =	vimm.f32 @!p1 $0.0e+00;
	[tilespmem:s0+$0x130] =	vst @!p0 v2  }
0x90: {  	[tilespmem:s0+$0x180] =	vst @!p1 v1  }
0x91: {  	[tilespmem:s0+$0x190] =	vst @!p1 v1;
	s17 =	spop (v2sf)  }
0x92: {  	[tilespmem:s0+$0x1A0] =	vst @!p1 v1;
	p0 =	sne.s32 s17, $0x0  }
0x93: {  	[tilespmem:s0+$0x1B0] =	vst @!p1 v1;
	v2 =	vimm.f32 @!p0 $0.0e+00  }
0x94: {  	[tilespmem:s0+$0x200] =	vst @!p0 v2  }
0x95: {  	s17 =	spop (v2sf);
	[tilespmem:s0+$0x210] =	vst @!p0 v2  }
0x96: {  	p1 =	sne.s32 s17, $0x0;
	[tilespmem:s0+$0x220] =	vst @!p0 v2  }
0x97: {  	v1 =	vimm.f32 @!p1 $0.0e+00;
	[tilespmem:s0+$0x230] =	vst @!p0 v2  }
0x98: {  	[tilespmem:s0+$0x280] =	vst @!p1 v1  }
0x99: {  	s17 =	spop (v2sf);
	[tilespmem:s0+$0x290] =	vst @!p1 v1  }
0x9a: {  	p0 =	sne.s32 s17, $0x0;
	[tilespmem:s0+$0x2A0] =	vst @!p1 v1  }
0x9b: {  	v2 =	vimm.f32 @!p0 $0.0e+00;
	[tilespmem:s0+$0x2B0] =	vst @!p1 v1  }
0x9c: {  	[tilespmem:s0+$0x300] =	vst @!p0 v2  }
0x9d: {  	s17 =	spop (v2sf);
	[tilespmem:s0+$0x310] =	vst @!p0 v2  }
0x9e: {  	p3 =	sne.s32 s17, $0x0;
	[tilespmem:s0+$0x320] =	vst @!p0 v2  }
0x9f: {  	[tilespmem:s0+$0x330] =	vst @!p0 v2;
	v1 =	vimm.f32 @!p3 $0.0e+00  }
0xa0: {  	[tilespmem:s0+$0x380] =	vst @!p3 v1  }
0xa1: {  	[tilespmem:s0+$0x390] =	vst @!p3 v1  }
0xa2: {  	s2 =	simm.s32 $0x40;
	[tilespmem:s0+$0x3A0] =	vst @!p3 v1  }
.LBB2_4:
0xa3: {  	s17 =	sshra.s32 s2, $0x2;
	[tilespmem:s0+$0x3B0] =	vst @!p3 v1  }
0xa4: {  	v1 =	vld [tilespmem:s17+$0x200];
	_ =	sdelay $0x4  }
0xa5: {  	(v2sf) =	vpush v1, $0x0  }
0xa6: {  	(v2sf) =	vpush v1, $0x1  }
0xa7: {  	(v2sf) =	vpush v1, $0x2  }
0xa8: {  	(v2sf) =	vpush v1, $0x3  }
0xa9: {  	(v2sf) =	vpush v1, $0x4  }
0xaa: {  	(v2sf) =	vpush v1, $0x5  }
0xab: {  	(v2sf) =	vpush v1, $0x6  }
0xac: {  	(v2sf) =	vpush v1, $0x7;
	_ =	sdelay $0x2  }
0xad: {  	(v2sf) =	vpush v1, $0x8  }
0xae: {  	s2 =	sadd.s32 $0x40, s2;
	(v2sf) =	vpush v1, $0x9  }
0xaf: {  	p0 =	sne.s32 s2, $0x800;
	(v2sf) =	vpush v1, $0xA  }
0xb0: {  	s17 =	simm.s32 @!p0 $0x0;
	(v2sf) =	vpush v1, $0xB  }
0xb1: {  	s17 =	simm.s32 @p0 $0x1;
	(v2sf) =	vpush v1, $0xC  }
0xb2: {  	[smem:$0x7FD] =	sst s17;
	(v2sf) =	vpush v1, $0xD;
	s17 =	spop (v2sf)  }
0xb3: {  	(v2sf) =	vpush v1, $0xE;
	p1 =	sne.s32 s17, $0x0;
	s17 =	spop (v2sf)  }
0xb4: {  	s0 =	sadd.s32 $0x800, s0;
	(v2sf) =	vpush v1, $0xF;
	v1 =	vimm.f32 @!p1 $0.0e+00;
	p2 =	sne.s32 s17, $0x0;
	s17 =	spop (v2sf)  }
0xb5: {  	[tilespmem:s0+$0xFFFFFC00] =	vst @!p1 v1;
	p3 =	sne.s32 s17, $0x0;
	s17 =	spop (v2sf)  }
0xb6: {  	[tilespmem:s0+$0xFFFFFC10] =	vst @!p1 v1;
	p6 =	sne.s32 s17, $0x0;
	s17 =	spop (v2sf)  }
0xb7: {  	[tilespmem:s0+$0xFFFFFC20] =	vst @!p1 v1;
	p5 =	sne.s32 s17, $0x0;
	s17 =	spop (v2sf)  }
0xb8: {  	v2 =	vimm.f32 @!p2 $0.0e+00;
	[tilespmem:s0+$0xFFFFFC30] =	vst @!p1 v1;
	p4 =	sne.s32 s17, $0x0;
	s17 =	spop (v2sf)  }
0xb9: {  	[tilespmem:s0+$0xFFFFFC80] =	vst @!p2 v2;
	p1 =	sne.s32 s17, $0x0;
	s17 =	spop (v2sf)  }
0xba: {  	[tilespmem:s0+$0xFFFFFC90] =	vst @!p2 v2;
	p0 =	sne.s32 s17, $0x0  }
0xbb: {  	[tilespmem:s0+$0xFFFFFCA0] =	vst @!p2 v2;
	s17 =	simm.s32 @!p0 $0x0  }
0xbc: {  	v3 =	vimm.f32 @!p3 $0.0e+00;
	[tilespmem:s0+$0xFFFFFCB0] =	vst @!p2 v2;
	s17 =	simm.s32 @p0 $0x1  }
0xbd: {  	[tilespmem:s0+$0xFFFFFD00] =	vst @!p3 v3;
	[smem:$0x7F7] =	sst s17;
	s17 =	spop (v2sf)  }
0xbe: {  	[tilespmem:s0+$0xFFFFFD10] =	vst @!p3 v3;
	v8 =	vimm.f32 @!p0 $0.0e+00;
	p0 =	sne.s32 s17, $0x0  }
0xbf: {  	[tilespmem:s0+$0xFFFFFD20] =	vst @!p3 v3;
	s17 =	simm.s32 @!p0 $0x0  }
0xc0: {  	v4 =	vimm.f32 @!p6 $0.0e+00;
	[tilespmem:s0+$0xFFFFFD30] =	vst @!p3 v3;
	s17 =	simm.s32 @p0 $0x1  }
0xc1: {  	[tilespmem:s0+$0xFFFFFD80] =	vst @!p6 v4;
	[smem:$0x7F8] =	sst s17;
	s17 =	spop (v2sf)  }
0xc2: {  	[tilespmem:s0+$0xFFFFFD90] =	vst @!p6 v4;
	p2 =	sne.s32 s17, $0x0;
	s17 =	spop (v2sf)  }
0xc3: {  	[tilespmem:s0+$0xFFFFFDA0] =	vst @!p6 v4;
	v2 =	vimm.f32 @!p0 $0.0e+00;
	p0 =	sne.s32 s17, $0x0  }
0xc4: {  	v5 =	vimm.f32 @!p5 $0.0e+00;
	[tilespmem:s0+$0xFFFFFDB0] =	vst @!p6 v4;
	s17 =	simm.s32 @!p0 $0x0  }
0xc5: {  	[tilespmem:s0+$0xFFFFFE00] =	vst @!p5 v5;
	s17 =	simm.s32 @p0 $0x1  }
0xc6: {  	[tilespmem:s0+$0xFFFFFE10] =	vst @!p5 v5;
	[smem:$0x7F9] =	sst s17;
	s17 =	spop (v2sf)  }
0xc7: {  	[tilespmem:s0+$0xFFFFFE20] =	vst @!p5 v5;
	v10 =	vimm.f32 @!p0 $0.0e+00;
	p0 =	sne.s32 s17, $0x0  }
0xc8: {  	v6 =	vimm.f32 @!p4 $0.0e+00;
	[tilespmem:s0+$0xFFFFFE30] =	vst @!p5 v5;
	s17 =	simm.s32 @!p0 $0x0  }
0xc9: {  	[tilespmem:s0+$0xFFFFFE80] =	vst @!p4 v6;
	s17 =	simm.s32 @p0 $0x1  }
0xca: {  	[tilespmem:s0+$0xFFFFFE90] =	vst @!p4 v6;
	[smem:$0x7FA] =	sst s17;
	s17 =	spop (v2sf)  }
0xcb: {  	[tilespmem:s0+$0xFFFFFEA0] =	vst @!p4 v6;
	v11 =	vimm.f32 @!p0 $0.0e+00;
	p0 =	sne.s32 s17, $0x0  }
0xcc: {  	v7 =	vimm.f32 @!p1 $0.0e+00;
	[tilespmem:s0+$0xFFFFFEB0] =	vst @!p4 v6;
	s17 =	simm.s32 @!p0 $0x0  }
0xcd: {  	[tilespmem:s0+$0xFFFFFF00] =	vst @!p1 v7;
	s17 =	simm.s32 @p0 $0x1  }
0xce: {  	[tilespmem:s0+$0xFFFFFF10] =	vst @!p1 v7;
	[smem:$0x7FB] =	sst s17;
	s17 =	spop (v2sf)  }
0xcf: {  	[tilespmem:s0+$0xFFFFFF20] =	vst @!p1 v7;
	v3 =	vimm.f32 @!p0 $0.0e+00;
	p0 =	sne.s32 s17, $0x0  }
0xd0: {  	[tilespmem:s0+$0xFFFFFF30] =	vst @!p1 v7;
	v9 =	vimm.f32 @!p2 $0.0e+00;
	s17 =	simm.s32 @!p0 $0x0  }
0xd1: {  	[tilespmem:s0+$0x80] =	vst @!p2 v9;
	s17 =	simm.s32 @p0 $0x1  }
0xd2: {  	[tilespmem:s0+$0x90] =	vst @!p2 v9;
	[smem:$0x7FC] =	sst s17;
	s17 =	spop (v2sf)  }
0xd3: {  	[tilespmem:s0+$0xA0] =	vst @!p2 v9;
	v12 =	vimm.f32 @!p0 $0.0e+00;
	p0 =	sne.s32 s17, $0x0;
	s17 =	spop (v2sf)  }
0xd4: {  	[tilespmem:s0+$0xB0] =	vst @!p2 v9;
	v13 =	vimm.f32 @!p0 $0.0e+00;
	p3 =	sne.s32 s17, $0x0;
	s17 =	sld [smem:$0x7F7]  }
0xd5: {  	[tilespmem:s0+$0x300] =	vst @!p0 v13  }
0xd6: {  	[tilespmem:s0+$0x310] =	vst @!p0 v13  }
0xd7: {  	[tilespmem:s0+$0x320] =	vst @!p0 v13;
	p1 =	seq.s32 s17, $0x1  }
0xd8: {  	s17 =	sld [smem:$0x7F8];
	[tilespmem:s0+$0xFFFFFF80] =	vst @!p1 v8  }
0xd9: {  	[tilespmem:s0+$0xFFFFFF90] =	vst @!p1 v8  }
0xda: {  	[tilespmem:s0+$0xFFFFFFA0] =	vst @!p1 v8  }
0xdb: {  	[tilespmem:s0+$0xFFFFFFB0] =	vst @!p1 v8;
	p1 =	seq.s32 s17, $0x1  }
0xdc: {  	s17 =	sld [smem:$0x7F9];
	[tilespmem:s0+$0x0] =	vst @!p1 v2  }
0xdd: {  	[tilespmem:s0+$0x10] =	vst @!p1 v2  }
0xde: {  	[tilespmem:s0+$0x20] =	vst @!p1 v2  }
0xdf: {  	[tilespmem:s0+$0x30] =	vst @!p1 v2;
	p1 =	seq.s32 s17, $0x1  }
0xe0: {  	s17 =	sld [smem:$0x7FA];
	[tilespmem:s0+$0x100] =	vst @!p1 v10  }
0xe1: {  	[tilespmem:s0+$0x110] =	vst @!p1 v10  }
0xe2: {  	[tilespmem:s0+$0x120] =	vst @!p1 v10  }
0xe3: {  	[tilespmem:s0+$0x130] =	vst @!p1 v10;
	p1 =	seq.s32 s17, $0x1  }
0xe4: {  	s17 =	sld [smem:$0x7FB];
	[tilespmem:s0+$0x180] =	vst @!p1 v11  }
0xe5: {  	[tilespmem:s0+$0x190] =	vst @!p1 v11  }
0xe6: {  	[tilespmem:s0+$0x1A0] =	vst @!p1 v11  }
0xe7: {  	[tilespmem:s0+$0x1B0] =	vst @!p1 v11;
	p1 =	seq.s32 s17, $0x1  }
0xe8: {  	s17 =	sld [smem:$0x7FC];
	[tilespmem:s0+$0x200] =	vst @!p1 v3  }
0xe9: {  	[tilespmem:s0+$0x210] =	vst @!p1 v3  }
0xea: {  	[tilespmem:s0+$0x220] =	vst @!p1 v3  }
0xeb: {  	[tilespmem:s0+$0x230] =	vst @!p1 v3;
	p1 =	seq.s32 s17, $0x1;
	s17 =	sld [smem:$0x7FD]  }
0xec: {  	v1 =	vimm.f32 @!p3 $0.0e+00;
	[tilespmem:s0+$0x330] =	vst @!p0 v13  }
0xed: {  	[tilespmem:s0+$0x380] =	vst @!p3 v1  }
0xee: {  	[tilespmem:s0+$0x390] =	vst @!p3 v1;
	p0 =	seq.s32 s17, $0x1  }
.Ltmp1:
0xef: {  	[tilespmem:s0+$0x3A0] =	vst @!p3 v1;
	(pc) =	sbr.rel @p0 .LBB2_4-.Ltmp1, $4  }
0xf0: {  	[tilespmem:s0+$0x280] =	vst @!p1 v12  }
0xf1: {  	[tilespmem:s0+$0x290] =	vst @!p1 v12  }
0xf2: {  	[tilespmem:s0+$0x2A0] =	vst @!p1 v12  }
0xf3: {  	[tilespmem:s0+$0x2B0] =	vst @!p1 v12  }
0xf4: {  	s31 =	sadd.s32 $0x1, s31  }
0xf5: {  	p0 =	sne.s32 s31, s12  }
.Ltmp2:
0xf6: {  	[tilespmem:s0+$0x3B0] =	vst @!p3 v1;
	(pc) =	sbr.rel @p0 .LBB2_1-.Ltmp2, $4  }
0xf7: {  	[hbm4b:s11+s3] =	stream.linear.scatter [tilespmem:s16], [sflag:$0x4], $0x10000, $0x38;
	[tilespmem:$0x18400] =	vst v63  }
0xf8: {  	_ =	swait.ge [sflag:s14], $0x10000  }
0xf9: {  	[sflag:s14] =	ssyncset.done $0x0  }
0xfa: {  	[sflag:s14] =	ssyncadd.s32 $0xFFFF0000  }
0xfb: {  	_ =	sfence.sel $0x180000  }
0xfc: {  	[bflag:$0x0] =	sbarrier.arrive $0xFFFF  }
0xfd: {  	_ =	strace $0x90000047  }
0xfe: {  	s0 =	stileid.u32;
	[bflag:$0x2] =	sbarrier.arrive $0xFFFF  }
0xff: {  	p0 =	sne.s32 s0, $0x0;
	s0 =	rddreg [dreg:$0x4]  }
0x100: {  	s0 =	sadd.s32 @!p0 $0x100000, s0  }
0x101: {  	[sflag:s0] =	ssyncadd.tile.s32 @!p0 $0x1;
	_ =	shalt  }
.Lfunc_end2:
_tile_overlayer_lowered:
.L_overlay_start_2:
0x102: {  	(tag) =	ssettag $0x2  }
0x103: {  	s0 =	rddreg [dreg:$0x0];
	s2 =	stileid.u32  }
0x104: {  	s1 =	rddreg [dreg:$0x1];
	p0 =	sne.s32 s2, $0x0  }
0x105: {  	s3 =	rddreg [dreg:$0x2];
	[bflag:$0x3] =	sbarrier.arrive $0xFFFF;
	s2 =	simm.s32 @!p0 $0x1C04  }
0x106: {  	[timem:s3], [sflag:s2] =	dma.local @!p0 [hbm:s0], s1  }
0x107: {  	s0 =	simm.s32 @!p0 $0x4  }
0x108: {  	_ =	swait.ge @!p0 [sflag:s0], s1  }
0x109: {  	s1 =	ssub.s32 @!p0 $0x0, s1;
	[sflag:s0] =	ssyncset.done @!p0 $0x0  }
0x10a: {  	[sflag:s0] =	ssyncadd.s32 @!p0 s1  }
0x10b: {  	[bflag:$0x3] =	sbarrier.arrive $0xFFFF  }
0x10c: {  	_ =	shalt  }

</sc_bundles>
